<compile_context>
chip_gen: v7x
topology: tpu7x:2x2x1
jax: 0.10.2.dev20260603
libtpu: 0.0.44.dev20260713+nightly
codegen_flags: <defaults>
</compile_context>

<pallas_src>
import functools

import jax
import jax.numpy as jnp
from jax import lax
from jax.experimental import pallas as pl
from jax.experimental.pallas import tpu as pltpu
from jax.experimental.pallas import tpu_sc as plsc

N_E = 8192
E_DIM = 32
N_ROWS = 8192
ROW_BLK = 1024
CODE_BLK = 1024
N_ROW_BLKS = N_ROWS // ROW_BLK
N_CODE_BLKS = N_E // CODE_BLK

_MATMUL_PRECISION = lax.Precision.DEFAULT


def _argmin_body(zt_ref, cbt_ref, idx_ref, loss_ref, esq_ref):
    i = pl.program_id(0)
    zt = zt_ref[0]

    @pl.when(i == 0)
    def _():
        cb = cbt_ref[...]
        esq_ref[...] = jnp.sum(cb * cb, axis=0, keepdims=True)

    zsq = jnp.sum(zt * zt, axis=0)[:, None]
    z2 = -2.0 * zt
    LANES = 128
    run_val = jnp.full((ROW_BLK, LANES), jnp.inf, dtype=jnp.float32)
    run_k = jnp.zeros((ROW_BLK, LANES), dtype=jnp.float32)
    for c in range(N_CODE_BLKS):
        sl = slice(c * CODE_BLK, (c + 1) * CODE_BLK)
        cbt = cbt_ref[:, sl]
        m = lax.dot_general(
            z2, cbt, (((0,), (0,)), ((), ())),
            precision=_MATMUL_PRECISION,
            preferred_element_type=jnp.float32)
        for s in range(CODE_BLK // LANES):
            k = c * (CODE_BLK // LANES) + s
            esq = esq_ref[:, k * LANES:(k + 1) * LANES]
            d = (zsq + esq) + m[:, s * LANES:(s + 1) * LANES]
            mask = d < run_val
            run_val = jnp.minimum(d, run_val)
            run_k = jnp.where(mask, jnp.float32(k), run_k)
    gmin = jnp.min(run_val, axis=1, keepdims=True)
    lane = lax.broadcasted_iota(
        jnp.int32, (ROW_BLK, LANES), 1).astype(jnp.float32)
    cand = jnp.where(run_val == gmin, run_k * float(LANES) + lane, 1e9)
    best_col = jnp.min(cand, axis=1)
    idx_ref[0, 0, :] = best_col.astype(jnp.int32)
    part = jnp.sum(gmin)

    @pl.when(i == 0)
    def _():
        loss_ref[0, 0] = part

    @pl.when(i != 0)
    def _():
        loss_ref[0, 0] += part


def _argmin_call(z3, cbt):
    blks_per_batch = 1024 // ROW_BLK
    return pl.pallas_call(
        _argmin_body,
        grid=(N_ROW_BLKS,),
        in_specs=[
            pl.BlockSpec((1, E_DIM, ROW_BLK),
                         lambda i: (i // blks_per_batch, 0, i % blks_per_batch)),
            pl.BlockSpec((E_DIM, N_E), lambda i: (0, 0)),
        ],
        out_specs=[
            pl.BlockSpec((1, 1, ROW_BLK), lambda i: (i, 0, 0)),
            pl.BlockSpec(memory_space=pltpu.SMEM, block_shape=(1, 1),
                         index_map=lambda i: (0, 0)),
        ],
        out_shape=[
            jax.ShapeDtypeStruct((N_ROW_BLKS, 1, ROW_BLK), jnp.int32),
            jax.ShapeDtypeStruct((1, 1), jnp.float32),
        ],
        scratch_shapes=[pltpu.VMEM((1, N_E), jnp.float32)],
    )(z3, cbt)


_SC_CHUNK = 128


def _make_gather():
    info = plsc.get_sparse_core_info()
    nw = info.num_cores * info.num_subcores
    per_w = N_ROWS // nw
    n_chunks = per_w // _SC_CHUNK
    mesh = plsc.VectorSubcoreMesh(core_axis_name="c", subcore_axis_name="s")

    hw = N_ROWS // 8
    w_per_b = hw // per_w

    @functools.partial(
        pl.kernel,
        mesh=mesh,
        compiler_params=pltpu.CompilerParams(use_tc_tiling_on_sc=False),
        out_type=jax.ShapeDtypeStruct((8, hw, E_DIM), jnp.float32),
        scratch_types=[
            pltpu.VMEM((_SC_CHUNK,), jnp.int32),
            pltpu.VMEM((_SC_CHUNK, E_DIM), jnp.float32),
            pltpu.SemaphoreType.DMA,
        ],
    )
    def gather(table_hbm, idx_hbm, out_hbm, idx_v, rows_v, sem):
        wid = lax.axis_index("s") * info.num_cores + lax.axis_index("c")
        b = wid // w_per_b
        for k in range(n_chunks):
            off = (wid % w_per_b) * per_w + k * _SC_CHUNK
            pltpu.sync_copy(idx_hbm.at[pl.ds(b * hw + off, _SC_CHUNK)], idx_v)
            pltpu.async_copy(table_hbm.at[idx_v], rows_v, sem).wait()
            pltpu.sync_copy(rows_v, out_hbm.at[b, pl.ds(off, _SC_CHUNK)])

    return gather


def kernel(z, codebook):
    z3 = z.reshape(z.shape[0], E_DIM, -1)
    cbt = jnp.transpose(codebook)

    idx_blocks, loss_sum = _argmin_call(z3, cbt)
    idx = idx_blocks.reshape(N_ROWS)

    z_q = _make_gather()(codebook, idx)
    z_q_out = jnp.transpose(z_q, (0, 2, 1)).reshape(z.shape)
    codebook_loss = loss_sum[0, 0] / (N_ROWS * E_DIM)
    idx_map = idx.reshape(z.shape[0], 1, z.shape[2], z.shape[3])
    return (z_q_out, codebook_loss, 0, idx_map)

# --- scband reference (transcript-rebuilt; emitter-appended) ---
"""Pipeline reference for scband-vector-quantizer-65429531787925 (READ-ONLY COPY).

The authoritative reference and input builder live on the scoring server;
editing this copy changes nothing except your own understanding.
"""

import jax, jax.numpy as jnp
import numpy as np

N_E = 8192
E_DIM = 32

def setup_inputs(seed: int = 0) -> dict:
    key = jax.random.key(seed)
    k1, k2 = jax.random.split(key)
    z = jax.random.normal(k1, (8, E_DIM, 32, 32), dtype=jnp.float32)
    codebook = jax.random.normal(k2, (N_E, E_DIM), dtype=jnp.float32) * 0.02
    return {"z": z, "codebook": codebook}

def reference(z, codebook):
    # z: (B, C=e_dim, H, W) -> (B, H, W, C)
    zp = jnp.transpose(z, (0, 2, 3, 1))
    z_flat = zp.reshape(-1, E_DIM)
    # l2 distance: ||z||^2 + ||e||^2 - 2 z.e
    d = (jnp.sum(z_flat ** 2, axis=1, keepdims=True)
         + jnp.sum(codebook ** 2, axis=1)
         - 2.0 * jnp.matmul(z_flat, codebook.T))
    min_encoding_indices = jnp.argmin(d, axis=1)
    # one-hot scatter (min_encodings.scatter_)
    min_encodings = jax.nn.one_hot(min_encoding_indices, codebook.shape[0], dtype=z.dtype)
    z_q = jnp.matmul(min_encodings, codebook)
    z_q = z_q.reshape(zp.shape)
    q_latent_loss = jnp.mean((z_q - jax.lax.stop_gradient(zp)) ** 2)
    codebook_loss = q_latent_loss
    z_q_out = jnp.transpose(z_q, (0, 3, 1, 2))
    idx_map = min_encoding_indices.reshape(z_q_out.shape[0], 1, z_q_out.shape[2], z_q_out.shape[3])
    return (z_q_out, codebook_loss, 0, idx_map)

if __name__ == "__main__":
    import jax
    _d = setup_inputs()
    print(jax.jit(kernel)(*tuple(_d.values())))

</pallas_src>

<mosaic_0001>
#map = affine_map<(d0, d1) -> (0, 0)>
#map1 = affine_map<(d0, d1) -> (0)>
#map2 = affine_map<(d0, d1) -> (0, 0, 0)>
module attributes {stable_mosaic.version = 14 : i64} {
  func.func @gather(%arg0: i32, %arg1: i32, %arg2: memref<8192x32xf32, #tpu.memory_space<hbm>>, %arg3: memref<8192xi32, #tpu.memory_space<hbm>>, %arg4: memref<8x1024x32xf32, #tpu.memory_space<hbm>>, %arg5: memref<128xi32, #tpu.memory_space<vmem>>, %arg6: memref<128x32xf32, #tpu.memory_space<vmem>>, %arg7: memref<!tpu.dma_semaphore, #tpu.memory_space<semaphore_mem>>) attributes {dimension_semantics = [#tpu.dimension_semantics<core_parallel>, #tpu.dimension_semantics<subcore_parallel>], iteration_bounds = array<i64: 2, 16>, scalar_prefetch = 0 : i64, scratch_operands = 3 : i64, tpu.core_type = #tpu.core_type<sc_vector_subcore>, window_params = [{transform_indices = #map}, {transform_indices = #map1}, {transform_indices = #map2}]} {
    %mul3A = arith.constant 2 : i32
    %mul3A_0 = arith.muli %arg1, %mul3A : i32
    %add3A = arith.addi %mul3A_0, %arg0 : i32
    %jit3A = arith.constant 4 : i32
    %div3A = arith.divsi %add3A, %jit3A : i32
    %sign3A = arith.constant 0 : i32
    %sign3A_1 = arith.cmpi sgt, %add3A, %sign3A : i32
    %sign3A_2 = arith.extui %sign3A_1 : i1 to i32
    %sign3A_3 = arith.constant 0 : i32
    %sign3A_4 = arith.cmpi slt, %add3A, %sign3A_3 : i32
    %sign3A_5 = arith.extui %sign3A_4 : i1 to i32
    %sign3A_6 = arith.subi %sign3A_2, %sign3A_5 : i32
    %sign3A_7 = arith.constant 0 : i32
    %sign3A_8 = arith.cmpi sgt, %jit3A, %sign3A_7 : i32
    %sign3A_9 = arith.extui %sign3A_8 : i1 to i32
    %sign3A_10 = arith.constant 0 : i32
    %sign3A_11 = arith.cmpi slt, %jit3A, %sign3A_10 : i32
    %sign3A_12 = arith.extui %sign3A_11 : i1 to i32
    %sign3A_13 = arith.subi %sign3A_9, %sign3A_12 : i32
    %ne3A = arith.cmpi ne, %sign3A_6, %sign3A_13 : i32
    %rem3A = arith.remsi %add3A, %jit3A : i32
    %ne3A_14 = arith.constant 0 : i32
    %ne3A_15 = arith.cmpi ne, %rem3A, %ne3A_14 : i32
    %and3A = arith.andi %ne3A, %ne3A_15 : i1
    %sub3A = arith.constant 1 : i32
    %sub3A_16 = arith.subi %div3A, %sub3A : i32
    %select_n3A = arith.select %and3A, %sub3A_16, %div3A : i32
    %jit3A_17 = arith.constant 4 : i32
    %eq3A = arith.constant 0 : i32
    %eq3A_18 = arith.cmpi eq, %jit3A_17, %eq3A : i32
    %jit3A_19 = arith.constant 1 : i32
    %select_n3A_20 = arith.select %eq3A_18, %jit3A_19, %jit3A_17 : i32
    %rem3A_21 = arith.remsi %add3A, %select_n3A_20 : i32
    %ne3A_22 = arith.constant 0 : i32
    %ne3A_23 = arith.cmpi ne, %rem3A_21, %ne3A_22 : i32
    %lt3A = arith.constant 0 : i32
    %lt3A_24 = arith.cmpi slt, %rem3A_21, %lt3A : i32
    %lt3A_25 = arith.constant 0 : i32
    %lt3A_26 = arith.cmpi slt, %select_n3A_20, %lt3A_25 : i32
    %ne3A_27 = arith.xori %lt3A_24, %lt3A_26 : i1
    %and3A_28 = arith.andi %ne3A_27, %ne3A_23 : i1
    %add3A_29 = arith.addi %rem3A_21, %select_n3A_20 : i32
    %select_n3A_30 = arith.select %and3A_28, %add3A_29, %rem3A_21 : i32
    %mul3A_31 = arith.constant 256 : i32
    %mul3A_32 = arith.muli %select_n3A_30, %mul3A_31 : i32
    %add3A_33 = arith.constant 0 : i32
    %add3A_34 = arith.addi %mul3A_32, %add3A_33 : i32
    %mul3A_35 = arith.constant 1024 : i32
    %mul3A_36 = arith.muli %select_n3A, %mul3A_35 : i32
    %add3A_37 = arith.addi %mul3A_36, %add3A_34 : i32
    "tpu.region"() ({
      %run_scoped3A = tpu.sem_alloc : memref<!tpu.dma_semaphore, #tpu.memory_space<semaphore_mem>>
      %dma_start3A_71 = tpu.memref_slice %arg3[%add3A_37] : memref<8192xi32, #tpu.memory_space<hbm>> -> memref<128xi32, #tpu.memory_space<hbm>>
      %dma_start3A_72 = tpu.memref_slice %arg3[%add3A_37] : memref<8192xi32, #tpu.memory_space<hbm>> -> memref<128xi32, #tpu.memory_space<hbm>>
      tpu.enqueue_dma source(%dma_start3A_72 : memref<128xi32, #tpu.memory_space<hbm>>) target(%arg5 : memref<128xi32, #tpu.memory_space<vmem>>) target_semaphore(%run_scoped3A : memref<!tpu.dma_semaphore, #tpu.memory_space<semaphore_mem>>)
      %dma_wait3A_73 = tpu.memref_slice %arg3[%add3A_37] : memref<8192xi32, #tpu.memory_space<hbm>> -> memref<128xi32, #tpu.memory_space<hbm>>
      %dma_wait3A_74 = tpu.memref_slice %arg3[%add3A_37] : memref<8192xi32, #tpu.memory_space<hbm>> -> memref<128xi32, #tpu.memory_space<hbm>>
      tpu.wait_dma2 semaphore(%run_scoped3A : memref<!tpu.dma_semaphore, #tpu.memory_space<semaphore_mem>>) src(%dma_wait3A_74 : memref<128xi32, #tpu.memory_space<hbm>>) dst(%arg5 : memref<128xi32, #tpu.memory_space<vmem>>)
      tpu.yield
    }) : () -> ()
    %dma_start3A = arith.constant 0 : i32
    %dma_start3A_38 = arith.constant 0 : i32
    %dma_start3A_39 = tpu.memref_slice %arg2[%dma_start3A, %dma_start3A_38] : memref<8192x32xf32, #tpu.memory_space<hbm>> -> memref<8192x32xf32, #tpu.memory_space<hbm>>
    tpu.enqueue_indirect_dma source(%dma_start3A_39 : memref<8192x32xf32, #tpu.memory_space<hbm>>) target(%arg6 : memref<128x32xf32, #tpu.memory_space<vmem>>) offsets(%arg5 : memref<128xi32, #tpu.memory_space<vmem>>) semaphore(%arg7 : memref<!tpu.dma_semaphore, #tpu.memory_space<semaphore_mem>>)
    %dma_wait3A = arith.constant 0 : i32
    %dma_wait3A_40 = arith.constant 0 : i32
    %dma_wait3A_41 = tpu.memref_slice %arg2[%dma_wait3A, %dma_wait3A_40] : memref<8192x32xf32, #tpu.memory_space<hbm>> -> memref<8192x32xf32, #tpu.memory_space<hbm>>
    tpu.wait_indirect_dma semaphore(%arg7 : memref<!tpu.dma_semaphore, #tpu.memory_space<semaphore_mem>>) src(%dma_wait3A_41 : memref<8192x32xf32, #tpu.memory_space<hbm>>) dst(%arg6 : memref<128x32xf32, #tpu.memory_space<vmem>>)
    "tpu.region"() ({
      %run_scoped3A = tpu.sem_alloc : memref<!tpu.dma_semaphore, #tpu.memory_space<semaphore_mem>>
      %dma_start3A_71 = arith.constant 0 : i32
      %dma_start3A_72 = tpu.memref_slice %arg4[%select_n3A, %add3A_34, %dma_start3A_71] : memref<8x1024x32xf32, #tpu.memory_space<hbm>> -> memref<1x128x32xf32, #tpu.memory_space<hbm>>
      %dma_start3A_73 = tpu.memref_squeeze %dma_start3A_72 : memref<1x128x32xf32, #tpu.memory_space<hbm>> -> memref<128x32xf32, #tpu.memory_space<hbm>>
      %dma_start3A_74 = arith.constant 0 : i32
      %dma_start3A_75 = tpu.memref_slice %arg4[%select_n3A, %add3A_34, %dma_start3A_74] : memref<8x1024x32xf32, #tpu.memory_space<hbm>> -> memref<1x128x32xf32, #tpu.memory_space<hbm>>
      %dma_start3A_76 = tpu.memref_squeeze %dma_start3A_75 : memref<1x128x32xf32, #tpu.memory_space<hbm>> -> memref<128x32xf32, #tpu.memory_space<hbm>>
      tpu.enqueue_dma source(%arg6 : memref<128x32xf32, #tpu.memory_space<vmem>>) target(%dma_start3A_76 : memref<128x32xf32, #tpu.memory_space<hbm>>) target_semaphore(%run_scoped3A : memref<!tpu.dma_semaphore, #tpu.memory_space<semaphore_mem>>)
      %dma_wait3A_77 = arith.constant 0 : i32
      %dma_wait3A_78 = tpu.memref_slice %arg4[%select_n3A, %add3A_34, %dma_wait3A_77] : memref<8x1024x32xf32, #tpu.memory_space<hbm>> -> memref<1x128x32xf32, #tpu.memory_space<hbm>>
      %dma_wait3A_79 = tpu.memref_squeeze %dma_wait3A_78 : memref<1x128x32xf32, #tpu.memory_space<hbm>> -> memref<128x32xf32, #tpu.memory_space<hbm>>
      %dma_wait3A_80 = arith.constant 0 : i32
      %dma_wait3A_81 = tpu.memref_slice %arg4[%select_n3A, %add3A_34, %dma_wait3A_80] : memref<8x1024x32xf32, #tpu.memory_space<hbm>> -> memref<1x128x32xf32, #tpu.memory_space<hbm>>
      %dma_wait3A_82 = tpu.memref_squeeze %dma_wait3A_81 : memref<1x128x32xf32, #tpu.memory_space<hbm>> -> memref<128x32xf32, #tpu.memory_space<hbm>>
      tpu.wait_dma2 semaphore(%run_scoped3A : memref<!tpu.dma_semaphore, #tpu.memory_space<semaphore_mem>>) src(%arg6 : memref<128x32xf32, #tpu.memory_space<vmem>>) dst(%dma_wait3A_82 : memref<128x32xf32, #tpu.memory_space<hbm>>)
      tpu.yield
    }) : () -> ()
    %jit3A_42 = arith.constant 4 : i32
    %eq3A_43 = arith.constant 0 : i32
    %eq3A_44 = arith.cmpi eq, %jit3A_42, %eq3A_43 : i32
    %jit3A_45 = arith.constant 1 : i32
    %select_n3A_46 = arith.select %eq3A_44, %jit3A_45, %jit3A_42 : i32
    %rem3A_47 = arith.remsi %add3A, %select_n3A_46 : i32
    %ne3A_48 = arith.constant 0 : i32
    %ne3A_49 = arith.cmpi ne, %rem3A_47, %ne3A_48 : i32
    %lt3A_50 = arith.constant 0 : i32
    %lt3A_51 = arith.cmpi slt, %rem3A_47, %lt3A_50 : i32
    %lt3A_52 = arith.constant 0 : i32
    %lt3A_53 = arith.cmpi slt, %select_n3A_46, %lt3A_52 : i32
    %ne3A_54 = arith.xori %lt3A_51, %lt3A_53 : i1
    %and3A_55 = arith.andi %ne3A_54, %ne3A_49 : i1
    %add3A_56 = arith.addi %rem3A_47, %select_n3A_46 : i32
    %select_n3A_57 = arith.select %and3A_55, %add3A_56, %rem3A_47 : i32
    %mul3A_58 = arith.constant 256 : i32
    %mul3A_59 = arith.muli %select_n3A_57, %mul3A_58 : i32
    %add3A_60 = arith.constant 128 : i32
    %add3A_61 = arith.addi %mul3A_59, %add3A_60 : i32
    %mul3A_62 = arith.constant 1024 : i32
    %mul3A_63 = arith.muli %select_n3A, %mul3A_62 : i32
    %add3A_64 = arith.addi %mul3A_63, %add3A_61 : i32
    "tpu.region"() ({
      %run_scoped3A = tpu.sem_alloc : memref<!tpu.dma_semaphore, #tpu.memory_space<semaphore_mem>>
      %dma_start3A_71 = tpu.memref_slice %arg3[%add3A_64] : memref<8192xi32, #tpu.memory_space<hbm>> -> memref<128xi32, #tpu.memory_space<hbm>>
      %dma_start3A_72 = tpu.memref_slice %arg3[%add3A_64] : memref<8192xi32, #tpu.memory_space<hbm>> -> memref<128xi32, #tpu.memory_space<hbm>>
      tpu.enqueue_dma source(%dma_start3A_72 : memref<128xi32, #tpu.memory_space<hbm>>) target(%arg5 : memref<128xi32, #tpu.memory_space<vmem>>) target_semaphore(%run_scoped3A : memref<!tpu.dma_semaphore, #tpu.memory_space<semaphore_mem>>)
      %dma_wait3A_73 = tpu.memref_slice %arg3[%add3A_64] : memref<8192xi32, #tpu.memory_space<hbm>> -> memref<128xi32, #tpu.memory_space<hbm>>
      %dma_wait3A_74 = tpu.memref_slice %arg3[%add3A_64] : memref<8192xi32, #tpu.memory_space<hbm>> -> memref<128xi32, #tpu.memory_space<hbm>>
      tpu.wait_dma2 semaphore(%run_scoped3A : memref<!tpu.dma_semaphore, #tpu.memory_space<semaphore_mem>>) src(%dma_wait3A_74 : memref<128xi32, #tpu.memory_space<hbm>>) dst(%arg5 : memref<128xi32, #tpu.memory_space<vmem>>)
      tpu.yield
    }) : () -> ()
    %dma_start3A_65 = arith.constant 0 : i32
    %dma_start3A_66 = arith.constant 0 : i32
    %dma_start3A_67 = tpu.memref_slice %arg2[%dma_start3A_65, %dma_start3A_66] : memref<8192x32xf32, #tpu.memory_space<hbm>> -> memref<8192x32xf32, #tpu.memory_space<hbm>>
    tpu.enqueue_indirect_dma source(%dma_start3A_67 : memref<8192x32xf32, #tpu.memory_space<hbm>>) target(%arg6 : memref<128x32xf32, #tpu.memory_space<vmem>>) offsets(%arg5 : memref<128xi32, #tpu.memory_space<vmem>>) semaphore(%arg7 : memref<!tpu.dma_semaphore, #tpu.memory_space<semaphore_mem>>)
    %dma_wait3A_68 = arith.constant 0 : i32
    %dma_wait3A_69 = arith.constant 0 : i32
    %dma_wait3A_70 = tpu.memref_slice %arg2[%dma_wait3A_68, %dma_wait3A_69] : memref<8192x32xf32, #tpu.memory_space<hbm>> -> memref<8192x32xf32, #tpu.memory_space<hbm>>
    tpu.wait_indirect_dma semaphore(%arg7 : memref<!tpu.dma_semaphore, #tpu.memory_space<semaphore_mem>>) src(%dma_wait3A_70 : memref<8192x32xf32, #tpu.memory_space<hbm>>) dst(%arg6 : memref<128x32xf32, #tpu.memory_space<vmem>>)
    "tpu.region"() ({
      %run_scoped3A = tpu.sem_alloc : memref<!tpu.dma_semaphore, #tpu.memory_space<semaphore_mem>>
      %dma_start3A_71 = arith.constant 0 : i32
      %dma_start3A_72 = tpu.memref_slice %arg4[%select_n3A, %add3A_61, %dma_start3A_71] : memref<8x1024x32xf32, #tpu.memory_space<hbm>> -> memref<1x128x32xf32, #tpu.memory_space<hbm>>
      %dma_start3A_73 = tpu.memref_squeeze %dma_start3A_72 : memref<1x128x32xf32, #tpu.memory_space<hbm>> -> memref<128x32xf32, #tpu.memory_space<hbm>>
      %dma_start3A_74 = arith.constant 0 : i32
      %dma_start3A_75 = tpu.memref_slice %arg4[%select_n3A, %add3A_61, %dma_start3A_74] : memref<8x1024x32xf32, #tpu.memory_space<hbm>> -> memref<1x128x32xf32, #tpu.memory_space<hbm>>
      %dma_start3A_76 = tpu.memref_squeeze %dma_start3A_75 : memref<1x128x32xf32, #tpu.memory_space<hbm>> -> memref<128x32xf32, #tpu.memory_space<hbm>>
      tpu.enqueue_dma source(%arg6 : memref<128x32xf32, #tpu.memory_space<vmem>>) target(%dma_start3A_76 : memref<128x32xf32, #tpu.memory_space<hbm>>) target_semaphore(%run_scoped3A : memref<!tpu.dma_semaphore, #tpu.memory_space<semaphore_mem>>)
      %dma_wait3A_77 = arith.constant 0 : i32
      %dma_wait3A_78 = tpu.memref_slice %arg4[%select_n3A, %add3A_61, %dma_wait3A_77] : memref<8x1024x32xf32, #tpu.memory_space<hbm>> -> memref<1x128x32xf32, #tpu.memory_space<hbm>>
      %dma_wait3A_79 = tpu.memref_squeeze %dma_wait3A_78 : memref<1x128x32xf32, #tpu.memory_space<hbm>> -> memref<128x32xf32, #tpu.memory_space<hbm>>
      %dma_wait3A_80 = arith.constant 0 : i32
      %dma_wait3A_81 = tpu.memref_slice %arg4[%select_n3A, %add3A_61, %dma_wait3A_80] : memref<8x1024x32xf32, #tpu.memory_space<hbm>> -> memref<1x128x32xf32, #tpu.memory_space<hbm>>
      %dma_wait3A_82 = tpu.memref_squeeze %dma_wait3A_81 : memref<1x128x32xf32, #tpu.memory_space<hbm>> -> memref<128x32xf32, #tpu.memory_space<hbm>>
      tpu.wait_dma2 semaphore(%run_scoped3A : memref<!tpu.dma_semaphore, #tpu.memory_space<semaphore_mem>>) src(%arg6 : memref<128x32xf32, #tpu.memory_space<vmem>>) dst(%dma_wait3A_82 : memref<128x32xf32, #tpu.memory_space<hbm>>)
      tpu.yield
    }) : () -> ()
    return
  }
}

module attributes {stable_mosaic.version = 14 : i64} {
  func.func @_argmin_body(%arg0: i32, %arg1: memref<1x32x1024xf32, #tpu.memory_space<vmem>>, %arg2: memref<32x8192xf32, #tpu.memory_space<vmem>>, %arg3: memref<1x1x1024xi32, #tpu.memory_space<vmem>>, %arg4: memref<1x1xf32, #tpu.memory_space<smem>>, %arg5: memref<1x8192xf32, #tpu.memory_space<vmem>>) attributes {dimension_semantics = [#tpu.dimension_semantics<arbitrary>], iteration_bounds = array<i64: 8>, scalar_prefetch = 0 : i64, scratch_operands = 1 : i64, tpu.core_type = #tpu.core_type<tc>, window_params = [{transform_indices = @transform_0, window_bounds = array<i64: 1, 32, 1024>}, {pipeline_mode = #tpu.pipeline_mode<synchronous>, transform_indices = @transform_1, window_bounds = array<i64: 32, 8192>}, {transform_indices = @transform_2, window_bounds = array<i64: 1, 1, 1024>}, {transform_indices = @transform_3, window_bounds = array<i64: 1, 1>}]} {
    %get3A = arith.constant 0 : index
    %get3A_0 = arith.constant 0 : index
    %get3A_1 = arith.constant 0 : index
    %get3A_2 = vector.load %arg1[%get3A, %get3A_0, %get3A_1] : memref<1x32x1024xf32, #tpu.memory_space<vmem>>, vector<1x32x1024xf32>
    %get3A_3 = vector.shape_cast %get3A_2 : vector<1x32x1024xf32> to vector<32x1024xf32>
    %eq3A = arith.constant 0 : i32
    %eq3A_4 = arith.cmpi eq, %arg0, %eq3A : i32
    %convert_element_type3A = arith.extui %eq3A_4 : i1 to i32
    %cond3A = arith.constant 0 : i32
    %cond3A_5 = arith.cmpi ne, %convert_element_type3A, %cond3A : i32
    scf.if %cond3A_5 {
      %get3A_913 = arith.constant 0 : index
      %get3A_914 = arith.constant 0 : index
      %get3A_915 = vector.load %arg2[%get3A_913, %get3A_914] : memref<32x8192xf32, #tpu.memory_space<vmem>>, vector<32x8192xf32>
      %mul3A_916 = arith.mulf %get3A_915, %get3A_915 : vector<32x8192xf32>
      %reduce_sum3A_917 = arith.constant dense<0.000000e+00> : vector<8192xf32>
      %reduce_sum3A_918 = vector.multi_reduction <add>, %mul3A_916, %reduce_sum3A_917 [0] : vector<32x8192xf32> to vector<8192xf32>
      %broadcast_in_dim3A_919 = vector.shape_cast %reduce_sum3A_918 : vector<8192xf32> to vector<1x8192xf32>
      %swap3A_920 = arith.constant 0 : index
      %swap3A_921 = arith.constant 0 : index
      %swap3A_922 = vector.load %arg5[%swap3A_920, %swap3A_921] : memref<1x8192xf32, #tpu.memory_space<vmem>>, vector<1x8192xf32>
      tpu.vector_store %arg5[%swap3A_920, %swap3A_921], %broadcast_in_dim3A_919 {strides = array<i32>} : memref<1x8192xf32, #tpu.memory_space<vmem>>, vector<1x8192xf32>,
    } else {
    }
    %mul3A = arith.mulf %get3A_3, %get3A_3 : vector<32x1024xf32>
    %reduce_sum3A = arith.constant dense<0.000000e+00> : vector<1024xf32>
    %reduce_sum3A_6 = vector.multi_reduction <add>, %mul3A, %reduce_sum3A [0] : vector<32x1024xf32> to vector<1024xf32>
    %broadcast_in_dim3A = vector.shape_cast %reduce_sum3A_6 : vector<1024xf32> to vector<1024x1xf32>
    %mul3A_7 = arith.constant -2.000000e+00 : f32
    %mul3A_8 = vector.broadcast %mul3A_7 : f32 to vector<32x1024xf32>
    %mul3A_9 = arith.mulf %mul3A_8, %get3A_3 : vector<32x1024xf32>
    %broadcast_in_dim3A_10 = arith.constant 0x7F800000 : f32
    %broadcast_in_dim3A_11 = vector.broadcast %broadcast_in_dim3A_10 : f32 to vector<1024x128xf32>
    %broadcast_in_dim3A_12 = arith.constant 0.000000e+00 : f32
    %broadcast_in_dim3A_13 = vector.broadcast %broadcast_in_dim3A_12 : f32 to vector<1024x128xf32>
    %get3A_14 = arith.constant 0 : index
    %get3A_15 = arith.constant 0 : index
    %get3A_16 = vector.load %arg2[%get3A_14, %get3A_15] : memref<32x8192xf32, #tpu.memory_space<vmem>>, vector<32x1024xf32>
    %dot_general3A = arith.constant dense<0.000000e+00> : vector<1024x1024xf32>
    %dot_general3A_17 = tpu.matmul %mul3A_9, %get3A_16, %dot_general3A {dimension_numbers = #tpu.dot_dimension_numbers<[0], [0], [1], [1], [0, 1, 1, 1], [], []>, transpose_lhs_hint = false} : vector<32x1024xf32>, vector<32x1024xf32>, vector<1024x1024xf32> -> vector<1024x1024xf32>
    %get3A_18 = arith.constant 0 : index
    %get3A_19 = arith.constant 0 : index
    %get3A_20 = vector.load %arg5[%get3A_18, %get3A_19] : memref<1x8192xf32, #tpu.memory_space<vmem>>, vector<1x128xf32>
    %add3A = vector.broadcast %broadcast_in_dim3A : vector<1024x1xf32> to vector<1024x128xf32>
    %add3A_21 = vector.broadcast %get3A_20 : vector<1x128xf32> to vector<1024x128xf32>
    %add3A_22 = arith.addf %add3A, %add3A_21 : vector<1024x128xf32>
    %slice3A = vector.extract_strided_slice %dot_general3A_17 {offsets = [0, 0], sizes = [1024, 128], strides = [1, 1]} : vector<1024x1024xf32> to vector<1024x128xf32>
    %add3A_23 = arith.addf %add3A_22, %slice3A : vector<1024x128xf32>
    %lt3A = arith.cmpf olt, %add3A_23, %broadcast_in_dim3A_11 : vector<1024x128xf32>
    %min3A = arith.minimumf %add3A_23, %broadcast_in_dim3A_11 : vector<1024x128xf32>
    %jit3A = arith.constant 0.000000e+00 : f32
    %broadcast_in_dim3A_24 = vector.broadcast %jit3A : f32 to vector<1024x128xf32>
    %select_n3A = arith.select %lt3A, %broadcast_in_dim3A_24, %broadcast_in_dim3A_13 : vector<1024x128xi1>, vector<1024x128xf32>
    %get3A_25 = arith.constant 0 : index
    %get3A_26 = arith.constant 128 : index
    %get3A_27 = vector.load %arg5[%get3A_25, %get3A_26] : memref<1x8192xf32, #tpu.memory_space<vmem>>, vector<1x128xf32>
    %add3A_28 = vector.broadcast %broadcast_in_dim3A : vector<1024x1xf32> to vector<1024x128xf32>
    %add3A_29 = vector.broadcast %get3A_27 : vector<1x128xf32> to vector<1024x128xf32>
    %add3A_30 = arith.addf %add3A_28, %add3A_29 : vector<1024x128xf32>
    %slice3A_31 = vector.extract_strided_slice %dot_general3A_17 {offsets = [0, 128], sizes = [1024, 128], strides = [1, 1]} : vector<1024x1024xf32> to vector<1024x128xf32>
    %add3A_32 = arith.addf %add3A_30, %slice3A_31 : vector<1024x128xf32>
    %lt3A_33 = arith.cmpf olt, %add3A_32, %min3A : vector<1024x128xf32>
    %min3A_34 = arith.minimumf %add3A_32, %min3A : vector<1024x128xf32>
    %jit3A_35 = arith.constant 1.000000e+00 : f32
    %broadcast_in_dim3A_36 = vector.broadcast %jit3A_35 : f32 to vector<1024x128xf32>
    %select_n3A_37 = arith.select %lt3A_33, %broadcast_in_dim3A_36, %select_n3A : vector<1024x128xi1>, vector<1024x128xf32>
    %get3A_38 = arith.constant 0 : index
    %get3A_39 = arith.constant 256 : index
    %get3A_40 = vector.load %arg5[%get3A_38, %get3A_39] : memref<1x8192xf32, #tpu.memory_space<vmem>>, vector<1x128xf32>
    %add3A_41 = vector.broadcast %broadcast_in_dim3A : vector<1024x1xf32> to vector<1024x128xf32>
    %add3A_42 = vector.broadcast %get3A_40 : vector<1x128xf32> to vector<1024x128xf32>
    %add3A_43 = arith.addf %add3A_41, %add3A_42 : vector<1024x128xf32>
    %slice3A_44 = vector.extract_strided_slice %dot_general3A_17 {offsets = [0, 256], sizes = [1024, 128], strides = [1, 1]} : vector<1024x1024xf32> to vector<1024x128xf32>
    %add3A_45 = arith.addf %add3A_43, %slice3A_44 : vector<1024x128xf32>
    %lt3A_46 = arith.cmpf olt, %add3A_45, %min3A_34 : vector<1024x128xf32>
    %min3A_47 = arith.minimumf %add3A_45, %min3A_34 : vector<1024x128xf32>
    %jit3A_48 = arith.constant 2.000000e+00 : f32
    %broadcast_in_dim3A_49 = vector.broadcast %jit3A_48 : f32 to vector<1024x128xf32>
    %select_n3A_50 = arith.select %lt3A_46, %broadcast_in_dim3A_49, %select_n3A_37 : vector<1024x128xi1>, vector<1024x128xf32>
    %get3A_51 = arith.constant 0 : index
    %get3A_52 = arith.constant 384 : index
    %get3A_53 = vector.load %arg5[%get3A_51, %get3A_52] : memref<1x8192xf32, #tpu.memory_space<vmem>>, vector<1x128xf32>
    %add3A_54 = vector.broadcast %broadcast_in_dim3A : vector<1024x1xf32> to vector<1024x128xf32>
    %add3A_55 = vector.broadcast %get3A_53 : vector<1x128xf32> to vector<1024x128xf32>
    %add3A_56 = arith.addf %add3A_54, %add3A_55 : vector<1024x128xf32>
    %slice3A_57 = vector.extract_strided_slice %dot_general3A_17 {offsets = [0, 384], sizes = [1024, 128], strides = [1, 1]} : vector<1024x1024xf32> to vector<1024x128xf32>
    %add3A_58 = arith.addf %add3A_56, %slice3A_57 : vector<1024x128xf32>
    %lt3A_59 = arith.cmpf olt, %add3A_58, %min3A_47 : vector<1024x128xf32>
    %min3A_60 = arith.minimumf %add3A_58, %min3A_47 : vector<1024x128xf32>
    %jit3A_61 = arith.constant 3.000000e+00 : f32
    %broadcast_in_dim3A_62 = vector.broadcast %jit3A_61 : f32 to vector<1024x128xf32>
    %select_n3A_63 = arith.select %lt3A_59, %broadcast_in_dim3A_62, %select_n3A_50 : vector<1024x128xi1>, vector<1024x128xf32>
    %get3A_64 = arith.constant 0 : index
    %get3A_65 = arith.constant 512 : index
    %get3A_66 = vector.load %arg5[%get3A_64, %get3A_65] : memref<1x8192xf32, #tpu.memory_space<vmem>>, vector<1x128xf32>
    %add3A_67 = vector.broadcast %broadcast_in_dim3A : vector<1024x1xf32> to vector<1024x128xf32>
    %add3A_68 = vector.broadcast %get3A_66 : vector<1x128xf32> to vector<1024x128xf32>
    %add3A_69 = arith.addf %add3A_67, %add3A_68 : vector<1024x128xf32>
    %slice3A_70 = vector.extract_strided_slice %dot_general3A_17 {offsets = [0, 512], sizes = [1024, 128], strides = [1, 1]} : vector<1024x1024xf32> to vector<1024x128xf32>
    %add3A_71 = arith.addf %add3A_69, %slice3A_70 : vector<1024x128xf32>
    %lt3A_72 = arith.cmpf olt, %add3A_71, %min3A_60 : vector<1024x128xf32>
    %min3A_73 = arith.minimumf %add3A_71, %min3A_60 : vector<1024x128xf32>
    %jit3A_74 = arith.constant 4.000000e+00 : f32
    %broadcast_in_dim3A_75 = vector.broadcast %jit3A_74 : f32 to vector<1024x128xf32>
    %select_n3A_76 = arith.select %lt3A_72, %broadcast_in_dim3A_75, %select_n3A_63 : vector<1024x128xi1>, vector<1024x128xf32>
    %get3A_77 = arith.constant 0 : index
    %get3A_78 = arith.constant 640 : index
    %get3A_79 = vector.load %arg5[%get3A_77, %get3A_78] : memref<1x8192xf32, #tpu.memory_space<vmem>>, vector<1x128xf32>
    %add3A_80 = vector.broadcast %broadcast_in_dim3A : vector<1024x1xf32> to vector<1024x128xf32>
    %add3A_81 = vector.broadcast %get3A_79 : vector<1x128xf32> to vector<1024x128xf32>
    %add3A_82 = arith.addf %add3A_80, %add3A_81 : vector<1024x128xf32>
    %slice3A_83 = vector.extract_strided_slice %dot_general3A_17 {offsets = [0, 640], sizes = [1024, 128], strides = [1, 1]} : vector<1024x1024xf32> to vector<1024x128xf32>
    %add3A_84 = arith.addf %add3A_82, %slice3A_83 : vector<1024x128xf32>
    %lt3A_85 = arith.cmpf olt, %add3A_84, %min3A_73 : vector<1024x128xf32>
    %min3A_86 = arith.minimumf %add3A_84, %min3A_73 : vector<1024x128xf32>
    %jit3A_87 = arith.constant 5.000000e+00 : f32
    %broadcast_in_dim3A_88 = vector.broadcast %jit3A_87 : f32 to vector<1024x128xf32>
    %select_n3A_89 = arith.select %lt3A_85, %broadcast_in_dim3A_88, %select_n3A_76 : vector<1024x128xi1>, vector<1024x128xf32>
    %get3A_90 = arith.constant 0 : index
    %get3A_91 = arith.constant 768 : index
    %get3A_92 = vector.load %arg5[%get3A_90, %get3A_91] : memref<1x8192xf32, #tpu.memory_space<vmem>>, vector<1x128xf32>
    %add3A_93 = vector.broadcast %broadcast_in_dim3A : vector<1024x1xf32> to vector<1024x128xf32>
    %add3A_94 = vector.broadcast %get3A_92 : vector<1x128xf32> to vector<1024x128xf32>
    %add3A_95 = arith.addf %add3A_93, %add3A_94 : vector<1024x128xf32>
    %slice3A_96 = vector.extract_strided_slice %dot_general3A_17 {offsets = [0, 768], sizes = [1024, 128], strides = [1, 1]} : vector<1024x1024xf32> to vector<1024x128xf32>
    %add3A_97 = arith.addf %add3A_95, %slice3A_96 : vector<1024x128xf32>
    %lt3A_98 = arith.cmpf olt, %add3A_97, %min3A_86 : vector<1024x128xf32>
    %min3A_99 = arith.minimumf %add3A_97, %min3A_86 : vector<1024x128xf32>
    %jit3A_100 = arith.constant 6.000000e+00 : f32
    %broadcast_in_dim3A_101 = vector.broadcast %jit3A_100 : f32 to vector<1024x128xf32>
    %select_n3A_102 = arith.select %lt3A_98, %broadcast_in_dim3A_101, %select_n3A_89 : vector<1024x128xi1>, vector<1024x128xf32>
    %get3A_103 = arith.constant 0 : index
    %get3A_104 = arith.constant 896 : index
    %get3A_105 = vector.load %arg5[%get3A_103, %get3A_104] : memref<1x8192xf32, #tpu.memory_space<vmem>>, vector<1x128xf32>
    %add3A_106 = vector.broadcast %broadcast_in_dim3A : vector<1024x1xf32> to vector<1024x128xf32>
    %add3A_107 = vector.broadcast %get3A_105 : vector<1x128xf32> to vector<1024x128xf32>
    %add3A_108 = arith.addf %add3A_106, %add3A_107 : vector<1024x128xf32>
    %slice3A_109 = vector.extract_strided_slice %dot_general3A_17 {offsets = [0, 896], sizes = [1024, 128], strides = [1, 1]} : vector<1024x1024xf32> to vector<1024x128xf32>
    %add3A_110 = arith.addf %add3A_108, %slice3A_109 : vector<1024x128xf32>
    %lt3A_111 = arith.cmpf olt, %add3A_110, %min3A_99 : vector<1024x128xf32>
    %min3A_112 = arith.minimumf %add3A_110, %min3A_99 : vector<1024x128xf32>
    %jit3A_113 = arith.constant 7.000000e+00 : f32
    %broadcast_in_dim3A_114 = vector.broadcast %jit3A_113 : f32 to vector<1024x128xf32>
    %select_n3A_115 = arith.select %lt3A_111, %broadcast_in_dim3A_114, %select_n3A_102 : vector<1024x128xi1>, vector<1024x128xf32>
    %get3A_116 = arith.constant 0 : index
    %get3A_117 = arith.constant 1024 : index
    %get3A_118 = vector.load %arg2[%get3A_116, %get3A_117] : memref<32x8192xf32, #tpu.memory_space<vmem>>, vector<32x1024xf32>
    %dot_general3A_119 = arith.constant dense<0.000000e+00> : vector<1024x1024xf32>
    %dot_general3A_120 = tpu.matmul %mul3A_9, %get3A_118, %dot_general3A_119 {dimension_numbers = #tpu.dot_dimension_numbers<[0], [0], [1], [1], [0, 1, 1, 1], [], []>, transpose_lhs_hint = false} : vector<32x1024xf32>, vector<32x1024xf32>, vector<1024x1024xf32> -> vector<1024x1024xf32>
    %get3A_121 = arith.constant 0 : index
    %get3A_122 = arith.constant 1024 : index
    %get3A_123 = vector.load %arg5[%get3A_121, %get3A_122] : memref<1x8192xf32, #tpu.memory_space<vmem>>, vector<1x128xf32>
    %add3A_124 = vector.broadcast %broadcast_in_dim3A : vector<1024x1xf32> to vector<1024x128xf32>
    %add3A_125 = vector.broadcast %get3A_123 : vector<1x128xf32> to vector<1024x128xf32>
    %add3A_126 = arith.addf %add3A_124, %add3A_125 : vector<1024x128xf32>
    %slice3A_127 = vector.extract_strided_slice %dot_general3A_120 {offsets = [0, 0], sizes = [1024, 128], strides = [1, 1]} : vector<1024x1024xf32> to vector<1024x128xf32>
    %add3A_128 = arith.addf %add3A_126, %slice3A_127 : vector<1024x128xf32>
    %lt3A_129 = arith.cmpf olt, %add3A_128, %min3A_112 : vector<1024x128xf32>
    %min3A_130 = arith.minimumf %add3A_128, %min3A_112 : vector<1024x128xf32>
    %jit3A_131 = arith.constant 8.000000e+00 : f32
    %broadcast_in_dim3A_132 = vector.broadcast %jit3A_131 : f32 to vector<1024x128xf32>
    %select_n3A_133 = arith.select %lt3A_129, %broadcast_in_dim3A_132, %select_n3A_115 : vector<1024x128xi1>, vector<1024x128xf32>
    %get3A_134 = arith.constant 0 : index
    %get3A_135 = arith.constant 1152 : index
    %get3A_136 = vector.load %arg5[%get3A_134, %get3A_135] : memref<1x8192xf32, #tpu.memory_space<vmem>>, vector<1x128xf32>
    %add3A_137 = vector.broadcast %broadcast_in_dim3A : vector<1024x1xf32> to vector<1024x128xf32>
    %add3A_138 = vector.broadcast %get3A_136 : vector<1x128xf32> to vector<1024x128xf32>
    %add3A_139 = arith.addf %add3A_137, %add3A_138 : vector<1024x128xf32>
    %slice3A_140 = vector.extract_strided_slice %dot_general3A_120 {offsets = [0, 128], sizes = [1024, 128], strides = [1, 1]} : vector<1024x1024xf32> to vector<1024x128xf32>
    %add3A_141 = arith.addf %add3A_139, %slice3A_140 : vector<1024x128xf32>
    %lt3A_142 = arith.cmpf olt, %add3A_141, %min3A_130 : vector<1024x128xf32>
    %min3A_143 = arith.minimumf %add3A_141, %min3A_130 : vector<1024x128xf32>
    %jit3A_144 = arith.constant 9.000000e+00 : f32
    %broadcast_in_dim3A_145 = vector.broadcast %jit3A_144 : f32 to vector<1024x128xf32>
    %select_n3A_146 = arith.select %lt3A_142, %broadcast_in_dim3A_145, %select_n3A_133 : vector<1024x128xi1>, vector<1024x128xf32>
    %get3A_147 = arith.constant 0 : index
    %get3A_148 = arith.constant 1280 : index
    %get3A_149 = vector.load %arg5[%get3A_147, %get3A_148] : memref<1x8192xf32, #tpu.memory_space<vmem>>, vector<1x128xf32>
    %add3A_150 = vector.broadcast %broadcast_in_dim3A : vector<1024x1xf32> to vector<1024x128xf32>
    %add3A_151 = vector.broadcast %get3A_149 : vector<1x128xf32> to vector<1024x128xf32>
    %add3A_152 = arith.addf %add3A_150, %add3A_151 : vector<1024x128xf32>
    %slice3A_153 = vector.extract_strided_slice %dot_general3A_120 {offsets = [0, 256], sizes = [1024, 128], strides = [1, 1]} : vector<1024x1024xf32> to vector<1024x128xf32>
    %add3A_154 = arith.addf %add3A_152, %slice3A_153 : vector<1024x128xf32>
    %lt3A_155 = arith.cmpf olt, %add3A_154, %min3A_143 : vector<1024x128xf32>
    %min3A_156 = arith.minimumf %add3A_154, %min3A_143 : vector<1024x128xf32>
    %jit3A_157 = arith.constant 1.000000e+01 : f32
    %broadcast_in_dim3A_158 = vector.broadcast %jit3A_157 : f32 to vector<1024x128xf32>
    %select_n3A_159 = arith.select %lt3A_155, %broadcast_in_dim3A_158, %select_n3A_146 : vector<1024x128xi1>, vector<1024x128xf32>
    %get3A_160 = arith.constant 0 : index
    %get3A_161 = arith.constant 1408 : index
    %get3A_162 = vector.load %arg5[%get3A_160, %get3A_161] : memref<1x8192xf32, #tpu.memory_space<vmem>>, vector<1x128xf32>
    %add3A_163 = vector.broadcast %broadcast_in_dim3A : vector<1024x1xf32> to vector<1024x128xf32>
    %add3A_164 = vector.broadcast %get3A_162 : vector<1x128xf32> to vector<1024x128xf32>
    %add3A_165 = arith.addf %add3A_163, %add3A_164 : vector<1024x128xf32>
    %slice3A_166 = vector.extract_strided_slice %dot_general3A_120 {offsets = [0, 384], sizes = [1024, 128], strides = [1, 1]} : vector<1024x1024xf32> to vector<1024x128xf32>
    %add3A_167 = arith.addf %add3A_165, %slice3A_166 : vector<1024x128xf32>
    %lt3A_168 = arith.cmpf olt, %add3A_167, %min3A_156 : vector<1024x128xf32>
    %min3A_169 = arith.minimumf %add3A_167, %min3A_156 : vector<1024x128xf32>
    %jit3A_170 = arith.constant 1.100000e+01 : f32
    %broadcast_in_dim3A_171 = vector.broadcast %jit3A_170 : f32 to vector<1024x128xf32>
    %select_n3A_172 = arith.select %lt3A_168, %broadcast_in_dim3A_171, %select_n3A_159 : vector<1024x128xi1>, vector<1024x128xf32>
    %get3A_173 = arith.constant 0 : index
    %get3A_174 = arith.constant 1536 : index
    %get3A_175 = vector.load %arg5[%get3A_173, %get3A_174] : memref<1x8192xf32, #tpu.memory_space<vmem>>, vector<1x128xf32>
    %add3A_176 = vector.broadcast %broadcast_in_dim3A : vector<1024x1xf32> to vector<1024x128xf32>
    %add3A_177 = vector.broadcast %get3A_175 : vector<1x128xf32> to vector<1024x128xf32>
    %add3A_178 = arith.addf %add3A_176, %add3A_177 : vector<1024x128xf32>
    %slice3A_179 = vector.extract_strided_slice %dot_general3A_120 {offsets = [0, 512], sizes = [1024, 128], strides = [1, 1]} : vector<1024x1024xf32> to vector<1024x128xf32>
    %add3A_180 = arith.addf %add3A_178, %slice3A_179 : vector<1024x128xf32>
    %lt3A_181 = arith.cmpf olt, %add3A_180, %min3A_169 : vector<1024x128xf32>
    %min3A_182 = arith.minimumf %add3A_180, %min3A_169 : vector<1024x128xf32>
    %jit3A_183 = arith.constant 1.200000e+01 : f32
    %broadcast_in_dim3A_184 = vector.broadcast %jit3A_183 : f32 to vector<1024x128xf32>
    %select_n3A_185 = arith.select %lt3A_181, %broadcast_in_dim3A_184, %select_n3A_172 : vector<1024x128xi1>, vector<1024x128xf32>
    %get3A_186 = arith.constant 0 : index
    %get3A_187 = arith.constant 1664 : index
    %get3A_188 = vector.load %arg5[%get3A_186, %get3A_187] : memref<1x8192xf32, #tpu.memory_space<vmem>>, vector<1x128xf32>
    %add3A_189 = vector.broadcast %broadcast_in_dim3A : vector<1024x1xf32> to vector<1024x128xf32>
    %add3A_190 = vector.broadcast %get3A_188 : vector<1x128xf32> to vector<1024x128xf32>
    %add3A_191 = arith.addf %add3A_189, %add3A_190 : vector<1024x128xf32>
    %slice3A_192 = vector.extract_strided_slice %dot_general3A_120 {offsets = [0, 640], sizes = [1024, 128], strides = [1, 1]} : vector<1024x1024xf32> to vector<1024x128xf32>
    %add3A_193 = arith.addf %add3A_191, %slice3A_192 : vector<1024x128xf32>
    %lt3A_194 = arith.cmpf olt, %add3A_193, %min3A_182 : vector<1024x128xf32>
    %min3A_195 = arith.minimumf %add3A_193, %min3A_182 : vector<1024x128xf32>
    %jit3A_196 = arith.constant 1.300000e+01 : f32
    %broadcast_in_dim3A_197 = vector.broadcast %jit3A_196 : f32 to vector<1024x128xf32>
    %select_n3A_198 = arith.select %lt3A_194, %broadcast_in_dim3A_197, %select_n3A_185 : vector<1024x128xi1>, vector<1024x128xf32>
    %get3A_199 = arith.constant 0 : index
    %get3A_200 = arith.constant 1792 : index
    %get3A_201 = vector.load %arg5[%get3A_199, %get3A_200] : memref<1x8192xf32, #tpu.memory_space<vmem>>, vector<1x128xf32>
    %add3A_202 = vector.broadcast %broadcast_in_dim3A : vector<1024x1xf32> to vector<1024x128xf32>
    %add3A_203 = vector.broadcast %get3A_201 : vector<1x128xf32> to vector<1024x128xf32>
    %add3A_204 = arith.addf %add3A_202, %add3A_203 : vector<1024x128xf32>
    %slice3A_205 = vector.extract_strided_slice %dot_general3A_120 {offsets = [0, 768], sizes = [1024, 128], strides = [1, 1]} : vector<1024x1024xf32> to vector<1024x128xf32>
    %add3A_206 = arith.addf %add3A_204, %slice3A_205 : vector<1024x128xf32>
    %lt3A_207 = arith.cmpf olt, %add3A_206, %min3A_195 : vector<1024x128xf32>
    %min3A_208 = arith.minimumf %add3A_206, %min3A_195 : vector<1024x128xf32>
    %jit3A_209 = arith.constant 1.400000e+01 : f32
    %broadcast_in_dim3A_210 = vector.broadcast %jit3A_209 : f32 to vector<1024x128xf32>
    %select_n3A_211 = arith.select %lt3A_207, %broadcast_in_dim3A_210, %select_n3A_198 : vector<1024x128xi1>, vector<1024x128xf32>
    %get3A_212 = arith.constant 0 : index
    %get3A_213 = arith.constant 1920 : index
    %get3A_214 = vector.load %arg5[%get3A_212, %get3A_213] : memref<1x8192xf32, #tpu.memory_space<vmem>>, vector<1x128xf32>
    %add3A_215 = vector.broadcast %broadcast_in_dim3A : vector<1024x1xf32> to vector<1024x128xf32>
    %add3A_216 = vector.broadcast %get3A_214 : vector<1x128xf32> to vector<1024x128xf32>
    %add3A_217 = arith.addf %add3A_215, %add3A_216 : vector<1024x128xf32>
    %slice3A_218 = vector.extract_strided_slice %dot_general3A_120 {offsets = [0, 896], sizes = [1024, 128], strides = [1, 1]} : vector<1024x1024xf32> to vector<1024x128xf32>
    %add3A_219 = arith.addf %add3A_217, %slice3A_218 : vector<1024x128xf32>
    %lt3A_220 = arith.cmpf olt, %add3A_219, %min3A_208 : vector<1024x128xf32>
    %min3A_221 = arith.minimumf %add3A_219, %min3A_208 : vector<1024x128xf32>
    %jit3A_222 = arith.constant 1.500000e+01 : f32
    %broadcast_in_dim3A_223 = vector.broadcast %jit3A_222 : f32 to vector<1024x128xf32>
    %select_n3A_224 = arith.select %lt3A_220, %broadcast_in_dim3A_223, %select_n3A_211 : vector<1024x128xi1>, vector<1024x128xf32>
    %get3A_225 = arith.constant 0 : index
    %get3A_226 = arith.constant 2048 : index
    %get3A_227 = vector.load %arg2[%get3A_225, %get3A_226] : memref<32x8192xf32, #tpu.memory_space<vmem>>, vector<32x1024xf32>
    %dot_general3A_228 = arith.constant dense<0.000000e+00> : vector<1024x1024xf32>
    %dot_general3A_229 = tpu.matmul %mul3A_9, %get3A_227, %dot_general3A_228 {dimension_numbers = #tpu.dot_dimension_numbers<[0], [0], [1], [1], [0, 1, 1, 1], [], []>, transpose_lhs_hint = false} : vector<32x1024xf32>, vector<32x1024xf32>, vector<1024x1024xf32> -> vector<1024x1024xf32>
    %get3A_230 = arith.constant 0 : index
    %get3A_231 = arith.constant 2048 : index
    %get3A_232 = vector.load %arg5[%get3A_230, %get3A_231] : memref<1x8192xf32, #tpu.memory_space<vmem>>, vector<1x128xf32>
    %add3A_233 = vector.broadcast %broadcast_in_dim3A : vector<1024x1xf32> to vector<1024x128xf32>
    %add3A_234 = vector.broadcast %get3A_232 : vector<1x128xf32> to vector<1024x128xf32>
    %add3A_235 = arith.addf %add3A_233, %add3A_234 : vector<1024x128xf32>
    %slice3A_236 = vector.extract_strided_slice %dot_general3A_229 {offsets = [0, 0], sizes = [1024, 128], strides = [1, 1]} : vector<1024x1024xf32> to vector<1024x128xf32>
    %add3A_237 = arith.addf %add3A_235, %slice3A_236 : vector<1024x128xf32>
    %lt3A_238 = arith.cmpf olt, %add3A_237, %min3A_221 : vector<1024x128xf32>
    %min3A_239 = arith.minimumf %add3A_237, %min3A_221 : vector<1024x128xf32>
    %jit3A_240 = arith.constant 1.600000e+01 : f32
    %broadcast_in_dim3A_241 = vector.broadcast %jit3A_240 : f32 to vector<1024x128xf32>
    %select_n3A_242 = arith.select %lt3A_238, %broadcast_in_dim3A_241, %select_n3A_224 : vector<1024x128xi1>, vector<1024x128xf32>
    %get3A_243 = arith.constant 0 : index
    %get3A_244 = arith.constant 2176 : index
    %get3A_245 = vector.load %arg5[%get3A_243, %get3A_244] : memref<1x8192xf32, #tpu.memory_space<vmem>>, vector<1x128xf32>
    %add3A_246 = vector.broadcast %broadcast_in_dim3A : vector<1024x1xf32> to vector<1024x128xf32>
    %add3A_247 = vector.broadcast %get3A_245 : vector<1x128xf32> to vector<1024x128xf32>
    %add3A_248 = arith.addf %add3A_246, %add3A_247 : vector<1024x128xf32>
    %slice3A_249 = vector.extract_strided_slice %dot_general3A_229 {offsets = [0, 128], sizes = [1024, 128], strides = [1, 1]} : vector<1024x1024xf32> to vector<1024x128xf32>
    %add3A_250 = arith.addf %add3A_248, %slice3A_249 : vector<1024x128xf32>
    %lt3A_251 = arith.cmpf olt, %add3A_250, %min3A_239 : vector<1024x128xf32>
    %min3A_252 = arith.minimumf %add3A_250, %min3A_239 : vector<1024x128xf32>
    %jit3A_253 = arith.constant 1.700000e+01 : f32
    %broadcast_in_dim3A_254 = vector.broadcast %jit3A_253 : f32 to vector<1024x128xf32>
    %select_n3A_255 = arith.select %lt3A_251, %broadcast_in_dim3A_254, %select_n3A_242 : vector<1024x128xi1>, vector<1024x128xf32>
    %get3A_256 = arith.constant 0 : index
    %get3A_257 = arith.constant 2304 : index
    %get3A_258 = vector.load %arg5[%get3A_256, %get3A_257] : memref<1x8192xf32, #tpu.memory_space<vmem>>, vector<1x128xf32>
    %add3A_259 = vector.broadcast %broadcast_in_dim3A : vector<1024x1xf32> to vector<1024x128xf32>
    %add3A_260 = vector.broadcast %get3A_258 : vector<1x128xf32> to vector<1024x128xf32>
    %add3A_261 = arith.addf %add3A_259, %add3A_260 : vector<1024x128xf32>
    %slice3A_262 = vector.extract_strided_slice %dot_general3A_229 {offsets = [0, 256], sizes = [1024, 128], strides = [1, 1]} : vector<1024x1024xf32> to vector<1024x128xf32>
    %add3A_263 = arith.addf %add3A_261, %slice3A_262 : vector<1024x128xf32>
    %lt3A_264 = arith.cmpf olt, %add3A_263, %min3A_252 : vector<1024x128xf32>
    %min3A_265 = arith.minimumf %add3A_263, %min3A_252 : vector<1024x128xf32>
    %jit3A_266 = arith.constant 1.800000e+01 : f32
    %broadcast_in_dim3A_267 = vector.broadcast %jit3A_266 : f32 to vector<1024x128xf32>
    %select_n3A_268 = arith.select %lt3A_264, %broadcast_in_dim3A_267, %select_n3A_255 : vector<1024x128xi1>, vector<1024x128xf32>
    %get3A_269 = arith.constant 0 : index
    %get3A_270 = arith.constant 2432 : index
    %get3A_271 = vector.load %arg5[%get3A_269, %get3A_270] : memref<1x8192xf32, #tpu.memory_space<vmem>>, vector<1x128xf32>
    %add3A_272 = vector.broadcast %broadcast_in_dim3A : vector<1024x1xf32> to vector<1024x128xf32>
    %add3A_273 = vector.broadcast %get3A_271 : vector<1x128xf32> to vector<1024x128xf32>
    %add3A_274 = arith.addf %add3A_272, %add3A_273 : vector<1024x128xf32>
    %slice3A_275 = vector.extract_strided_slice %dot_general3A_229 {offsets = [0, 384], sizes = [1024, 128], strides = [1, 1]} : vector<1024x1024xf32> to vector<1024x128xf32>
    %add3A_276 = arith.addf %add3A_274, %slice3A_275 : vector<1024x128xf32>
    %lt3A_277 = arith.cmpf olt, %add3A_276, %min3A_265 : vector<1024x128xf32>
    %min3A_278 = arith.minimumf %add3A_276, %min3A_265 : vector<1024x128xf32>
    %jit3A_279 = arith.constant 1.900000e+01 : f32
    %broadcast_in_dim3A_280 = vector.broadcast %jit3A_279 : f32 to vector<1024x128xf32>
    %select_n3A_281 = arith.select %lt3A_277, %broadcast_in_dim3A_280, %select_n3A_268 : vector<1024x128xi1>, vector<1024x128xf32>
    %get3A_282 = arith.constant 0 : index
    %get3A_283 = arith.constant 2560 : index
    %get3A_284 = vector.load %arg5[%get3A_282, %get3A_283] : memref<1x8192xf32, #tpu.memory_space<vmem>>, vector<1x128xf32>
    %add3A_285 = vector.broadcast %broadcast_in_dim3A : vector<1024x1xf32> to vector<1024x128xf32>
    %add3A_286 = vector.broadcast %get3A_284 : vector<1x128xf32> to vector<1024x128xf32>
    %add3A_287 = arith.addf %add3A_285, %add3A_286 : vector<1024x128xf32>
    %slice3A_288 = vector.extract_strided_slice %dot_general3A_229 {offsets = [0, 512], sizes = [1024, 128], strides = [1, 1]} : vector<1024x1024xf32> to vector<1024x128xf32>
    %add3A_289 = arith.addf %add3A_287, %slice3A_288 : vector<1024x128xf32>
    %lt3A_290 = arith.cmpf olt, %add3A_289, %min3A_278 : vector<1024x128xf32>
    %min3A_291 = arith.minimumf %add3A_289, %min3A_278 : vector<1024x128xf32>
    %jit3A_292 = arith.constant 2.000000e+01 : f32
    %broadcast_in_dim3A_293 = vector.broadcast %jit3A_292 : f32 to vector<1024x128xf32>
    %select_n3A_294 = arith.select %lt3A_290, %broadcast_in_dim3A_293, %select_n3A_281 : vector<1024x128xi1>, vector<1024x128xf32>
    %get3A_295 = arith.constant 0 : index
    %get3A_296 = arith.constant 2688 : index
    %get3A_297 = vector.load %arg5[%get3A_295, %get3A_296] : memref<1x8192xf32, #tpu.memory_space<vmem>>, vector<1x128xf32>
    %add3A_298 = vector.broadcast %broadcast_in_dim3A : vector<1024x1xf32> to vector<1024x128xf32>
    %add3A_299 = vector.broadcast %get3A_297 : vector<1x128xf32> to vector<1024x128xf32>
    %add3A_300 = arith.addf %add3A_298, %add3A_299 : vector<1024x128xf32>
    %slice3A_301 = vector.extract_strided_slice %dot_general3A_229 {offsets = [0, 640], sizes = [1024, 128], strides = [1, 1]} : vector<1024x1024xf32> to vector<1024x128xf32>
    %add3A_302 = arith.addf %add3A_300, %slice3A_301 : vector<1024x128xf32>
    %lt3A_303 = arith.cmpf olt, %add3A_302, %min3A_291 : vector<1024x128xf32>
    %min3A_304 = arith.minimumf %add3A_302, %min3A_291 : vector<1024x128xf32>
    %jit3A_305 = arith.constant 2.100000e+01 : f32
    %broadcast_in_dim3A_306 = vector.broadcast %jit3A_305 : f32 to vector<1024x128xf32>
    %select_n3A_307 = arith.select %lt3A_303, %broadcast_in_dim3A_306, %select_n3A_294 : vector<1024x128xi1>, vector<1024x128xf32>
    %get3A_308 = arith.constant 0 : index
    %get3A_309 = arith.constant 2816 : index
    %get3A_310 = vector.load %arg5[%get3A_308, %get3A_309] : memref<1x8192xf32, #tpu.memory_space<vmem>>, vector<1x128xf32>
    %add3A_311 = vector.broadcast %broadcast_in_dim3A : vector<1024x1xf32> to vector<1024x128xf32>
    %add3A_312 = vector.broadcast %get3A_310 : vector<1x128xf32> to vector<1024x128xf32>
    %add3A_313 = arith.addf %add3A_311, %add3A_312 : vector<1024x128xf32>
    %slice3A_314 = vector.extract_strided_slice %dot_general3A_229 {offsets = [0, 768], sizes = [1024, 128], strides = [1, 1]} : vector<1024x1024xf32> to vector<1024x128xf32>
    %add3A_315 = arith.addf %add3A_313, %slice3A_314 : vector<1024x128xf32>
    %lt3A_316 = arith.cmpf olt, %add3A_315, %min3A_304 : vector<1024x128xf32>
    %min3A_317 = arith.minimumf %add3A_315, %min3A_304 : vector<1024x128xf32>
    %jit3A_318 = arith.constant 2.200000e+01 : f32
    %broadcast_in_dim3A_319 = vector.broadcast %jit3A_318 : f32 to vector<1024x128xf32>
    %select_n3A_320 = arith.select %lt3A_316, %broadcast_in_dim3A_319, %select_n3A_307 : vector<1024x128xi1>, vector<1024x128xf32>
    %get3A_321 = arith.constant 0 : index
    %get3A_322 = arith.constant 2944 : index
    %get3A_323 = vector.load %arg5[%get3A_321, %get3A_322] : memref<1x8192xf32, #tpu.memory_space<vmem>>, vector<1x128xf32>
    %add3A_324 = vector.broadcast %broadcast_in_dim3A : vector<1024x1xf32> to vector<1024x128xf32>
    %add3A_325 = vector.broadcast %get3A_323 : vector<1x128xf32> to vector<1024x128xf32>
    %add3A_326 = arith.addf %add3A_324, %add3A_325 : vector<1024x128xf32>
    %slice3A_327 = vector.extract_strided_slice %dot_general3A_229 {offsets = [0, 896], sizes = [1024, 128], strides = [1, 1]} : vector<1024x1024xf32> to vector<1024x128xf32>
    %add3A_328 = arith.addf %add3A_326, %slice3A_327 : vector<1024x128xf32>
    %lt3A_329 = arith.cmpf olt, %add3A_328, %min3A_317 : vector<1024x128xf32>
    %min3A_330 = arith.minimumf %add3A_328, %min3A_317 : vector<1024x128xf32>
    %jit3A_331 = arith.constant 2.300000e+01 : f32
    %broadcast_in_dim3A_332 = vector.broadcast %jit3A_331 : f32 to vector<1024x128xf32>
    %select_n3A_333 = arith.select %lt3A_329, %broadcast_in_dim3A_332, %select_n3A_320 : vector<1024x128xi1>, vector<1024x128xf32>
    %get3A_334 = arith.constant 0 : index
    %get3A_335 = arith.constant 3072 : index
    %get3A_336 = vector.load %arg2[%get3A_334, %get3A_335] : memref<32x8192xf32, #tpu.memory_space<vmem>>, vector<32x1024xf32>
    %dot_general3A_337 = arith.constant dense<0.000000e+00> : vector<1024x1024xf32>
    %dot_general3A_338 = tpu.matmul %mul3A_9, %get3A_336, %dot_general3A_337 {dimension_numbers = #tpu.dot_dimension_numbers<[0], [0], [1], [1], [0, 1, 1, 1], [], []>, transpose_lhs_hint = false} : vector<32x1024xf32>, vector<32x1024xf32>, vector<1024x1024xf32> -> vector<1024x1024xf32>
    %get3A_339 = arith.constant 0 : index
    %get3A_340 = arith.constant 3072 : index
    %get3A_341 = vector.load %arg5[%get3A_339, %get3A_340] : memref<1x8192xf32, #tpu.memory_space<vmem>>, vector<1x128xf32>
    %add3A_342 = vector.broadcast %broadcast_in_dim3A : vector<1024x1xf32> to vector<1024x128xf32>
    %add3A_343 = vector.broadcast %get3A_341 : vector<1x128xf32> to vector<1024x128xf32>
    %add3A_344 = arith.addf %add3A_342, %add3A_343 : vector<1024x128xf32>
    %slice3A_345 = vector.extract_strided_slice %dot_general3A_338 {offsets = [0, 0], sizes = [1024, 128], strides = [1, 1]} : vector<1024x1024xf32> to vector<1024x128xf32>
    %add3A_346 = arith.addf %add3A_344, %slice3A_345 : vector<1024x128xf32>
    %lt3A_347 = arith.cmpf olt, %add3A_346, %min3A_330 : vector<1024x128xf32>
    %min3A_348 = arith.minimumf %add3A_346, %min3A_330 : vector<1024x128xf32>
    %jit3A_349 = arith.constant 2.400000e+01 : f32
    %broadcast_in_dim3A_350 = vector.broadcast %jit3A_349 : f32 to vector<1024x128xf32>
    %select_n3A_351 = arith.select %lt3A_347, %broadcast_in_dim3A_350, %select_n3A_333 : vector<1024x128xi1>, vector<1024x128xf32>
    %get3A_352 = arith.constant 0 : index
    %get3A_353 = arith.constant 3200 : index
    %get3A_354 = vector.load %arg5[%get3A_352, %get3A_353] : memref<1x8192xf32, #tpu.memory_space<vmem>>, vector<1x128xf32>
    %add3A_355 = vector.broadcast %broadcast_in_dim3A : vector<1024x1xf32> to vector<1024x128xf32>
    %add3A_356 = vector.broadcast %get3A_354 : vector<1x128xf32> to vector<1024x128xf32>
    %add3A_357 = arith.addf %add3A_355, %add3A_356 : vector<1024x128xf32>
    %slice3A_358 = vector.extract_strided_slice %dot_general3A_338 {offsets = [0, 128], sizes = [1024, 128], strides = [1, 1]} : vector<1024x1024xf32> to vector<1024x128xf32>
    %add3A_359 = arith.addf %add3A_357, %slice3A_358 : vector<1024x128xf32>
    %lt3A_360 = arith.cmpf olt, %add3A_359, %min3A_348 : vector<1024x128xf32>
    %min3A_361 = arith.minimumf %add3A_359, %min3A_348 : vector<1024x128xf32>
    %jit3A_362 = arith.constant 2.500000e+01 : f32
    %broadcast_in_dim3A_363 = vector.broadcast %jit3A_362 : f32 to vector<1024x128xf32>
    %select_n3A_364 = arith.select %lt3A_360, %broadcast_in_dim3A_363, %select_n3A_351 : vector<1024x128xi1>, vector<1024x128xf32>
    %get3A_365 = arith.constant 0 : index
    %get3A_366 = arith.constant 3328 : index
    %get3A_367 = vector.load %arg5[%get3A_365, %get3A_366] : memref<1x8192xf32, #tpu.memory_space<vmem>>, vector<1x128xf32>
    %add3A_368 = vector.broadcast %broadcast_in_dim3A : vector<1024x1xf32> to vector<1024x128xf32>
    %add3A_369 = vector.broadcast %get3A_367 : vector<1x128xf32> to vector<1024x128xf32>
    %add3A_370 = arith.addf %add3A_368, %add3A_369 : vector<1024x128xf32>
    %slice3A_371 = vector.extract_strided_slice %dot_general3A_338 {offsets = [0, 256], sizes = [1024, 128], strides = [1, 1]} : vector<1024x1024xf32> to vector<1024x128xf32>
    %add3A_372 = arith.addf %add3A_370, %slice3A_371 : vector<1024x128xf32>
    %lt3A_373 = arith.cmpf olt, %add3A_372, %min3A_361 : vector<1024x128xf32>
    %min3A_374 = arith.minimumf %add3A_372, %min3A_361 : vector<1024x128xf32>
    %jit3A_375 = arith.constant 2.600000e+01 : f32
    %broadcast_in_dim3A_376 = vector.broadcast %jit3A_375 : f32 to vector<1024x128xf32>
    %select_n3A_377 = arith.select %lt3A_373, %broadcast_in_dim3A_376, %select_n3A_364 : vector<1024x128xi1>, vector<1024x128xf32>
    %get3A_378 = arith.constant 0 : index
    %get3A_379 = arith.constant 3456 : index
    %get3A_380 = vector.load %arg5[%get3A_378, %get3A_379] : memref<1x8192xf32, #tpu.memory_space<vmem>>, vector<1x128xf32>
    %add3A_381 = vector.broadcast %broadcast_in_dim3A : vector<1024x1xf32> to vector<1024x128xf32>
    %add3A_382 = vector.broadcast %get3A_380 : vector<1x128xf32> to vector<1024x128xf32>
    %add3A_383 = arith.addf %add3A_381, %add3A_382 : vector<1024x128xf32>
    %slice3A_384 = vector.extract_strided_slice %dot_general3A_338 {offsets = [0, 384], sizes = [1024, 128], strides = [1, 1]} : vector<1024x1024xf32> to vector<1024x128xf32>
    %add3A_385 = arith.addf %add3A_383, %slice3A_384 : vector<1024x128xf32>
    %lt3A_386 = arith.cmpf olt, %add3A_385, %min3A_374 : vector<1024x128xf32>
    %min3A_387 = arith.minimumf %add3A_385, %min3A_374 : vector<1024x128xf32>
    %jit3A_388 = arith.constant 2.700000e+01 : f32
    %broadcast_in_dim3A_389 = vector.broadcast %jit3A_388 : f32 to vector<1024x128xf32>
    %select_n3A_390 = arith.select %lt3A_386, %broadcast_in_dim3A_389, %select_n3A_377 : vector<1024x128xi1>, vector<1024x128xf32>
    %get3A_391 = arith.constant 0 : index
    %get3A_392 = arith.constant 3584 : index
    %get3A_393 = vector.load %arg5[%get3A_391, %get3A_392] : memref<1x8192xf32, #tpu.memory_space<vmem>>, vector<1x128xf32>
    %add3A_394 = vector.broadcast %broadcast_in_dim3A : vector<1024x1xf32> to vector<1024x128xf32>
    %add3A_395 = vector.broadcast %get3A_393 : vector<1x128xf32> to vector<1024x128xf32>
    %add3A_396 = arith.addf %add3A_394, %add3A_395 : vector<1024x128xf32>
    %slice3A_397 = vector.extract_strided_slice %dot_general3A_338 {offsets = [0, 512], sizes = [1024, 128], strides = [1, 1]} : vector<1024x1024xf32> to vector<1024x128xf32>
    %add3A_398 = arith.addf %add3A_396, %slice3A_397 : vector<1024x128xf32>
    %lt3A_399 = arith.cmpf olt, %add3A_398, %min3A_387 : vector<1024x128xf32>
    %min3A_400 = arith.minimumf %add3A_398, %min3A_387 : vector<1024x128xf32>
    %jit3A_401 = arith.constant 2.800000e+01 : f32
    %broadcast_in_dim3A_402 = vector.broadcast %jit3A_401 : f32 to vector<1024x128xf32>
    %select_n3A_403 = arith.select %lt3A_399, %broadcast_in_dim3A_402, %select_n3A_390 : vector<1024x128xi1>, vector<1024x128xf32>
    %get3A_404 = arith.constant 0 : index
    %get3A_405 = arith.constant 3712 : index
    %get3A_406 = vector.load %arg5[%get3A_404, %get3A_405] : memref<1x8192xf32, #tpu.memory_space<vmem>>, vector<1x128xf32>
    %add3A_407 = vector.broadcast %broadcast_in_dim3A : vector<1024x1xf32> to vector<1024x128xf32>
    %add3A_408 = vector.broadcast %get3A_406 : vector<1x128xf32> to vector<1024x128xf32>
    %add3A_409 = arith.addf %add3A_407, %add3A_408 : vector<1024x128xf32>
    %slice3A_410 = vector.extract_strided_slice %dot_general3A_338 {offsets = [0, 640], sizes = [1024, 128], strides = [1, 1]} : vector<1024x1024xf32> to vector<1024x128xf32>
    %add3A_411 = arith.addf %add3A_409, %slice3A_410 : vector<1024x128xf32>
    %lt3A_412 = arith.cmpf olt, %add3A_411, %min3A_400 : vector<1024x128xf32>
    %min3A_413 = arith.minimumf %add3A_411, %min3A_400 : vector<1024x128xf32>
    %jit3A_414 = arith.constant 2.900000e+01 : f32
    %broadcast_in_dim3A_415 = vector.broadcast %jit3A_414 : f32 to vector<1024x128xf32>
    %select_n3A_416 = arith.select %lt3A_412, %broadcast_in_dim3A_415, %select_n3A_403 : vector<1024x128xi1>, vector<1024x128xf32>
    %get3A_417 = arith.constant 0 : index
    %get3A_418 = arith.constant 3840 : index
    %get3A_419 = vector.load %arg5[%get3A_417, %get3A_418] : memref<1x8192xf32, #tpu.memory_space<vmem>>, vector<1x128xf32>
    %add3A_420 = vector.broadcast %broadcast_in_dim3A : vector<1024x1xf32> to vector<1024x128xf32>
    %add3A_421 = vector.broadcast %get3A_419 : vector<1x128xf32> to vector<1024x128xf32>
    %add3A_422 = arith.addf %add3A_420, %add3A_421 : vector<1024x128xf32>
    %slice3A_423 = vector.extract_strided_slice %dot_general3A_338 {offsets = [0, 768], sizes = [1024, 128], strides = [1, 1]} : vector<1024x1024xf32> to vector<1024x128xf32>
    %add3A_424 = arith.addf %add3A_422, %slice3A_423 : vector<1024x128xf32>
    %lt3A_425 = arith.cmpf olt, %add3A_424, %min3A_413 : vector<1024x128xf32>
    %min3A_426 = arith.minimumf %add3A_424, %min3A_413 : vector<1024x128xf32>
    %jit3A_427 = arith.constant 3.000000e+01 : f32
    %broadcast_in_dim3A_428 = vector.broadcast %jit3A_427 : f32 to vector<1024x128xf32>
    %select_n3A_429 = arith.select %lt3A_425, %broadcast_in_dim3A_428, %select_n3A_416 : vector<1024x128xi1>, vector<1024x128xf32>
    %get3A_430 = arith.constant 0 : index
    %get3A_431 = arith.constant 3968 : index
    %get3A_432 = vector.load %arg5[%get3A_430, %get3A_431] : memref<1x8192xf32, #tpu.memory_space<vmem>>, vector<1x128xf32>
    %add3A_433 = vector.broadcast %broadcast_in_dim3A : vector<1024x1xf32> to vector<1024x128xf32>
    %add3A_434 = vector.broadcast %get3A_432 : vector<1x128xf32> to vector<1024x128xf32>
    %add3A_435 = arith.addf %add3A_433, %add3A_434 : vector<1024x128xf32>
    %slice3A_436 = vector.extract_strided_slice %dot_general3A_338 {offsets = [0, 896], sizes = [1024, 128], strides = [1, 1]} : vector<1024x1024xf32> to vector<1024x128xf32>
    %add3A_437 = arith.addf %add3A_435, %slice3A_436 : vector<1024x128xf32>
    %lt3A_438 = arith.cmpf olt, %add3A_437, %min3A_426 : vector<1024x128xf32>
    %min3A_439 = arith.minimumf %add3A_437, %min3A_426 : vector<1024x128xf32>
    %jit3A_440 = arith.constant 3.100000e+01 : f32
    %broadcast_in_dim3A_441 = vector.broadcast %jit3A_440 : f32 to vector<1024x128xf32>
    %select_n3A_442 = arith.select %lt3A_438, %broadcast_in_dim3A_441, %select_n3A_429 : vector<1024x128xi1>, vector<1024x128xf32>
    %get3A_443 = arith.constant 0 : index
    %get3A_444 = arith.constant 4096 : index
    %get3A_445 = vector.load %arg2[%get3A_443, %get3A_444] : memref<32x8192xf32, #tpu.memory_space<vmem>>, vector<32x1024xf32>
    %dot_general3A_446 = arith.constant dense<0.000000e+00> : vector<1024x1024xf32>
    %dot_general3A_447 = tpu.matmul %mul3A_9, %get3A_445, %dot_general3A_446 {dimension_numbers = #tpu.dot_dimension_numbers<[0], [0], [1], [1], [0, 1, 1, 1], [], []>, transpose_lhs_hint = false} : vector<32x1024xf32>, vector<32x1024xf32>, vector<1024x1024xf32> -> vector<1024x1024xf32>
    %get3A_448 = arith.constant 0 : index
    %get3A_449 = arith.constant 4096 : index
    %get3A_450 = vector.load %arg5[%get3A_448, %get3A_449] : memref<1x8192xf32, #tpu.memory_space<vmem>>, vector<1x128xf32>
    %add3A_451 = vector.broadcast %broadcast_in_dim3A : vector<1024x1xf32> to vector<1024x128xf32>
    %add3A_452 = vector.broadcast %get3A_450 : vector<1x128xf32> to vector<1024x128xf32>
    %add3A_453 = arith.addf %add3A_451, %add3A_452 : vector<1024x128xf32>
    %slice3A_454 = vector.extract_strided_slice %dot_general3A_447 {offsets = [0, 0], sizes = [1024, 128], strides = [1, 1]} : vector<1024x1024xf32> to vector<1024x128xf32>
    %add3A_455 = arith.addf %add3A_453, %slice3A_454 : vector<1024x128xf32>
    %lt3A_456 = arith.cmpf olt, %add3A_455, %min3A_439 : vector<1024x128xf32>
    %min3A_457 = arith.minimumf %add3A_455, %min3A_439 : vector<1024x128xf32>
    %jit3A_458 = arith.constant 3.200000e+01 : f32
    %broadcast_in_dim3A_459 = vector.broadcast %jit3A_458 : f32 to vector<1024x128xf32>
    %select_n3A_460 = arith.select %lt3A_456, %broadcast_in_dim3A_459, %select_n3A_442 : vector<1024x128xi1>, vector<1024x128xf32>
    %get3A_461 = arith.constant 0 : index
    %get3A_462 = arith.constant 4224 : index
    %get3A_463 = vector.load %arg5[%get3A_461, %get3A_462] : memref<1x8192xf32, #tpu.memory_space<vmem>>, vector<1x128xf32>
    %add3A_464 = vector.broadcast %broadcast_in_dim3A : vector<1024x1xf32> to vector<1024x128xf32>
    %add3A_465 = vector.broadcast %get3A_463 : vector<1x128xf32> to vector<1024x128xf32>
    %add3A_466 = arith.addf %add3A_464, %add3A_465 : vector<1024x128xf32>
    %slice3A_467 = vector.extract_strided_slice %dot_general3A_447 {offsets = [0, 128], sizes = [1024, 128], strides = [1, 1]} : vector<1024x1024xf32> to vector<1024x128xf32>
    %add3A_468 = arith.addf %add3A_466, %slice3A_467 : vector<1024x128xf32>
    %lt3A_469 = arith.cmpf olt, %add3A_468, %min3A_457 : vector<1024x128xf32>
    %min3A_470 = arith.minimumf %add3A_468, %min3A_457 : vector<1024x128xf32>
    %jit3A_471 = arith.constant 3.300000e+01 : f32
    %broadcast_in_dim3A_472 = vector.broadcast %jit3A_471 : f32 to vector<1024x128xf32>
    %select_n3A_473 = arith.select %lt3A_469, %broadcast_in_dim3A_472, %select_n3A_460 : vector<1024x128xi1>, vector<1024x128xf32>
    %get3A_474 = arith.constant 0 : index
    %get3A_475 = arith.constant 4352 : index
    %get3A_476 = vector.load %arg5[%get3A_474, %get3A_475] : memref<1x8192xf32, #tpu.memory_space<vmem>>, vector<1x128xf32>
    %add3A_477 = vector.broadcast %broadcast_in_dim3A : vector<1024x1xf32> to vector<1024x128xf32>
    %add3A_478 = vector.broadcast %get3A_476 : vector<1x128xf32> to vector<1024x128xf32>
    %add3A_479 = arith.addf %add3A_477, %add3A_478 : vector<1024x128xf32>
    %slice3A_480 = vector.extract_strided_slice %dot_general3A_447 {offsets = [0, 256], sizes = [1024, 128], strides = [1, 1]} : vector<1024x1024xf32> to vector<1024x128xf32>
    %add3A_481 = arith.addf %add3A_479, %slice3A_480 : vector<1024x128xf32>
    %lt3A_482 = arith.cmpf olt, %add3A_481, %min3A_470 : vector<1024x128xf32>
    %min3A_483 = arith.minimumf %add3A_481, %min3A_470 : vector<1024x128xf32>
    %jit3A_484 = arith.constant 3.400000e+01 : f32
    %broadcast_in_dim3A_485 = vector.broadcast %jit3A_484 : f32 to vector<1024x128xf32>
    %select_n3A_486 = arith.select %lt3A_482, %broadcast_in_dim3A_485, %select_n3A_473 : vector<1024x128xi1>, vector<1024x128xf32>
    %get3A_487 = arith.constant 0 : index
    %get3A_488 = arith.constant 4480 : index
    %get3A_489 = vector.load %arg5[%get3A_487, %get3A_488] : memref<1x8192xf32, #tpu.memory_space<vmem>>, vector<1x128xf32>
    %add3A_490 = vector.broadcast %broadcast_in_dim3A : vector<1024x1xf32> to vector<1024x128xf32>
    %add3A_491 = vector.broadcast %get3A_489 : vector<1x128xf32> to vector<1024x128xf32>
    %add3A_492 = arith.addf %add3A_490, %add3A_491 : vector<1024x128xf32>
    %slice3A_493 = vector.extract_strided_slice %dot_general3A_447 {offsets = [0, 384], sizes = [1024, 128], strides = [1, 1]} : vector<1024x1024xf32> to vector<1024x128xf32>
    %add3A_494 = arith.addf %add3A_492, %slice3A_493 : vector<1024x128xf32>
    %lt3A_495 = arith.cmpf olt, %add3A_494, %min3A_483 : vector<1024x128xf32>
    %min3A_496 = arith.minimumf %add3A_494, %min3A_483 : vector<1024x128xf32>
    %jit3A_497 = arith.constant 3.500000e+01 : f32
    %broadcast_in_dim3A_498 = vector.broadcast %jit3A_497 : f32 to vector<1024x128xf32>
    %select_n3A_499 = arith.select %lt3A_495, %broadcast_in_dim3A_498, %select_n3A_486 : vector<1024x128xi1>, vector<1024x128xf32>
    %get3A_500 = arith.constant 0 : index
    %get3A_501 = arith.constant 4608 : index
    %get3A_502 = vector.load %arg5[%get3A_500, %get3A_501] : memref<1x8192xf32, #tpu.memory_space<vmem>>, vector<1x128xf32>
    %add3A_503 = vector.broadcast %broadcast_in_dim3A : vector<1024x1xf32> to vector<1024x128xf32>
    %add3A_504 = vector.broadcast %get3A_502 : vector<1x128xf32> to vector<1024x128xf32>
    %add3A_505 = arith.addf %add3A_503, %add3A_504 : vector<1024x128xf32>
    %slice3A_506 = vector.extract_strided_slice %dot_general3A_447 {offsets = [0, 512], sizes = [1024, 128], strides = [1, 1]} : vector<1024x1024xf32> to vector<1024x128xf32>
    %add3A_507 = arith.addf %add3A_505, %slice3A_506 : vector<1024x128xf32>
    %lt3A_508 = arith.cmpf olt, %add3A_507, %min3A_496 : vector<1024x128xf32>
    %min3A_509 = arith.minimumf %add3A_507, %min3A_496 : vector<1024x128xf32>
    %jit3A_510 = arith.constant 3.600000e+01 : f32
    %broadcast_in_dim3A_511 = vector.broadcast %jit3A_510 : f32 to vector<1024x128xf32>
    %select_n3A_512 = arith.select %lt3A_508, %broadcast_in_dim3A_511, %select_n3A_499 : vector<1024x128xi1>, vector<1024x128xf32>
    %get3A_513 = arith.constant 0 : index
    %get3A_514 = arith.constant 4736 : index
    %get3A_515 = vector.load %arg5[%get3A_513, %get3A_514] : memref<1x8192xf32, #tpu.memory_space<vmem>>, vector<1x128xf32>
    %add3A_516 = vector.broadcast %broadcast_in_dim3A : vector<1024x1xf32> to vector<1024x128xf32>
    %add3A_517 = vector.broadcast %get3A_515 : vector<1x128xf32> to vector<1024x128xf32>
    %add3A_518 = arith.addf %add3A_516, %add3A_517 : vector<1024x128xf32>
    %slice3A_519 = vector.extract_strided_slice %dot_general3A_447 {offsets = [0, 640], sizes = [1024, 128], strides = [1, 1]} : vector<1024x1024xf32> to vector<1024x128xf32>
    %add3A_520 = arith.addf %add3A_518, %slice3A_519 : vector<1024x128xf32>
    %lt3A_521 = arith.cmpf olt, %add3A_520, %min3A_509 : vector<1024x128xf32>
    %min3A_522 = arith.minimumf %add3A_520, %min3A_509 : vector<1024x128xf32>
    %jit3A_523 = arith.constant 3.700000e+01 : f32
    %broadcast_in_dim3A_524 = vector.broadcast %jit3A_523 : f32 to vector<1024x128xf32>
    %select_n3A_525 = arith.select %lt3A_521, %broadcast_in_dim3A_524, %select_n3A_512 : vector<1024x128xi1>, vector<1024x128xf32>
    %get3A_526 = arith.constant 0 : index
    %get3A_527 = arith.constant 4864 : index
    %get3A_528 = vector.load %arg5[%get3A_526, %get3A_527] : memref<1x8192xf32, #tpu.memory_space<vmem>>, vector<1x128xf32>
    %add3A_529 = vector.broadcast %broadcast_in_dim3A : vector<1024x1xf32> to vector<1024x128xf32>
    %add3A_530 = vector.broadcast %get3A_528 : vector<1x128xf32> to vector<1024x128xf32>
    %add3A_531 = arith.addf %add3A_529, %add3A_530 : vector<1024x128xf32>
    %slice3A_532 = vector.extract_strided_slice %dot_general3A_447 {offsets = [0, 768], sizes = [1024, 128], strides = [1, 1]} : vector<1024x1024xf32> to vector<1024x128xf32>
    %add3A_533 = arith.addf %add3A_531, %slice3A_532 : vector<1024x128xf32>
    %lt3A_534 = arith.cmpf olt, %add3A_533, %min3A_522 : vector<1024x128xf32>
    %min3A_535 = arith.minimumf %add3A_533, %min3A_522 : vector<1024x128xf32>
    %jit3A_536 = arith.constant 3.800000e+01 : f32
    %broadcast_in_dim3A_537 = vector.broadcast %jit3A_536 : f32 to vector<1024x128xf32>
    %select_n3A_538 = arith.select %lt3A_534, %broadcast_in_dim3A_537, %select_n3A_525 : vector<1024x128xi1>, vector<1024x128xf32>
    %get3A_539 = arith.constant 0 : index
    %get3A_540 = arith.constant 4992 : index
    %get3A_541 = vector.load %arg5[%get3A_539, %get3A_540] : memref<1x8192xf32, #tpu.memory_space<vmem>>, vector<1x128xf32>
    %add3A_542 = vector.broadcast %broadcast_in_dim3A : vector<1024x1xf32> to vector<1024x128xf32>
    %add3A_543 = vector.broadcast %get3A_541 : vector<1x128xf32> to vector<1024x128xf32>
    %add3A_544 = arith.addf %add3A_542, %add3A_543 : vector<1024x128xf32>
    %slice3A_545 = vector.extract_strided_slice %dot_general3A_447 {offsets = [0, 896], sizes = [1024, 128], strides = [1, 1]} : vector<1024x1024xf32> to vector<1024x128xf32>
    %add3A_546 = arith.addf %add3A_544, %slice3A_545 : vector<1024x128xf32>
    %lt3A_547 = arith.cmpf olt, %add3A_546, %min3A_535 : vector<1024x128xf32>
    %min3A_548 = arith.minimumf %add3A_546, %min3A_535 : vector<1024x128xf32>
    %jit3A_549 = arith.constant 3.900000e+01 : f32
    %broadcast_in_dim3A_550 = vector.broadcast %jit3A_549 : f32 to vector<1024x128xf32>
    %select_n3A_551 = arith.select %lt3A_547, %broadcast_in_dim3A_550, %select_n3A_538 : vector<1024x128xi1>, vector<1024x128xf32>
    %get3A_552 = arith.constant 0 : index
    %get3A_553 = arith.constant 5120 : index
    %get3A_554 = vector.load %arg2[%get3A_552, %get3A_553] : memref<32x8192xf32, #tpu.memory_space<vmem>>, vector<32x1024xf32>
    %dot_general3A_555 = arith.constant dense<0.000000e+00> : vector<1024x1024xf32>
    %dot_general3A_556 = tpu.matmul %mul3A_9, %get3A_554, %dot_general3A_555 {dimension_numbers = #tpu.dot_dimension_numbers<[0], [0], [1], [1], [0, 1, 1, 1], [], []>, transpose_lhs_hint = false} : vector<32x1024xf32>, vector<32x1024xf32>, vector<1024x1024xf32> -> vector<1024x1024xf32>
    %get3A_557 = arith.constant 0 : index
    %get3A_558 = arith.constant 5120 : index
    %get3A_559 = vector.load %arg5[%get3A_557, %get3A_558] : memref<1x8192xf32, #tpu.memory_space<vmem>>, vector<1x128xf32>
    %add3A_560 = vector.broadcast %broadcast_in_dim3A : vector<1024x1xf32> to vector<1024x128xf32>
    %add3A_561 = vector.broadcast %get3A_559 : vector<1x128xf32> to vector<1024x128xf32>
    %add3A_562 = arith.addf %add3A_560, %add3A_561 : vector<1024x128xf32>
    %slice3A_563 = vector.extract_strided_slice %dot_general3A_556 {offsets = [0, 0], sizes = [1024, 128], strides = [1, 1]} : vector<1024x1024xf32> to vector<1024x128xf32>
    %add3A_564 = arith.addf %add3A_562, %slice3A_563 : vector<1024x128xf32>
    %lt3A_565 = arith.cmpf olt, %add3A_564, %min3A_548 : vector<1024x128xf32>
    %min3A_566 = arith.minimumf %add3A_564, %min3A_548 : vector<1024x128xf32>
    %jit3A_567 = arith.constant 4.000000e+01 : f32
    %broadcast_in_dim3A_568 = vector.broadcast %jit3A_567 : f32 to vector<1024x128xf32>
    %select_n3A_569 = arith.select %lt3A_565, %broadcast_in_dim3A_568, %select_n3A_551 : vector<1024x128xi1>, vector<1024x128xf32>
    %get3A_570 = arith.constant 0 : index
    %get3A_571 = arith.constant 5248 : index
    %get3A_572 = vector.load %arg5[%get3A_570, %get3A_571] : memref<1x8192xf32, #tpu.memory_space<vmem>>, vector<1x128xf32>
    %add3A_573 = vector.broadcast %broadcast_in_dim3A : vector<1024x1xf32> to vector<1024x128xf32>
    %add3A_574 = vector.broadcast %get3A_572 : vector<1x128xf32> to vector<1024x128xf32>
    %add3A_575 = arith.addf %add3A_573, %add3A_574 : vector<1024x128xf32>
    %slice3A_576 = vector.extract_strided_slice %dot_general3A_556 {offsets = [0, 128], sizes = [1024, 128], strides = [1, 1]} : vector<1024x1024xf32> to vector<1024x128xf32>
    %add3A_577 = arith.addf %add3A_575, %slice3A_576 : vector<1024x128xf32>
    %lt3A_578 = arith.cmpf olt, %add3A_577, %min3A_566 : vector<1024x128xf32>
    %min3A_579 = arith.minimumf %add3A_577, %min3A_566 : vector<1024x128xf32>
    %jit3A_580 = arith.constant 4.100000e+01 : f32
    %broadcast_in_dim3A_581 = vector.broadcast %jit3A_580 : f32 to vector<1024x128xf32>
    %select_n3A_582 = arith.select %lt3A_578, %broadcast_in_dim3A_581, %select_n3A_569 : vector<1024x128xi1>, vector<1024x128xf32>
    %get3A_583 = arith.constant 0 : index
    %get3A_584 = arith.constant 5376 : index
    %get3A_585 = vector.load %arg5[%get3A_583, %get3A_584] : memref<1x8192xf32, #tpu.memory_space<vmem>>, vector<1x128xf32>
    %add3A_586 = vector.broadcast %broadcast_in_dim3A : vector<1024x1xf32> to vector<1024x128xf32>
    %add3A_587 = vector.broadcast %get3A_585 : vector<1x128xf32> to vector<1024x128xf32>
    %add3A_588 = arith.addf %add3A_586, %add3A_587 : vector<1024x128xf32>
    %slice3A_589 = vector.extract_strided_slice %dot_general3A_556 {offsets = [0, 256], sizes = [1024, 128], strides = [1, 1]} : vector<1024x1024xf32> to vector<1024x128xf32>
    %add3A_590 = arith.addf %add3A_588, %slice3A_589 : vector<1024x128xf32>
    %lt3A_591 = arith.cmpf olt, %add3A_590, %min3A_579 : vector<1024x128xf32>
    %min3A_592 = arith.minimumf %add3A_590, %min3A_579 : vector<1024x128xf32>
    %jit3A_593 = arith.constant 4.200000e+01 : f32
    %broadcast_in_dim3A_594 = vector.broadcast %jit3A_593 : f32 to vector<1024x128xf32>
    %select_n3A_595 = arith.select %lt3A_591, %broadcast_in_dim3A_594, %select_n3A_582 : vector<1024x128xi1>, vector<1024x128xf32>
    %get3A_596 = arith.constant 0 : index
    %get3A_597 = arith.constant 5504 : index
    %get3A_598 = vector.load %arg5[%get3A_596, %get3A_597] : memref<1x8192xf32, #tpu.memory_space<vmem>>, vector<1x128xf32>
    %add3A_599 = vector.broadcast %broadcast_in_dim3A : vector<1024x1xf32> to vector<1024x128xf32>
    %add3A_600 = vector.broadcast %get3A_598 : vector<1x128xf32> to vector<1024x128xf32>
    %add3A_601 = arith.addf %add3A_599, %add3A_600 : vector<1024x128xf32>
    %slice3A_602 = vector.extract_strided_slice %dot_general3A_556 {offsets = [0, 384], sizes = [1024, 128], strides = [1, 1]} : vector<1024x1024xf32> to vector<1024x128xf32>
    %add3A_603 = arith.addf %add3A_601, %slice3A_602 : vector<1024x128xf32>
    %lt3A_604 = arith.cmpf olt, %add3A_603, %min3A_592 : vector<1024x128xf32>
    %min3A_605 = arith.minimumf %add3A_603, %min3A_592 : vector<1024x128xf32>
    %jit3A_606 = arith.constant 4.300000e+01 : f32
    %broadcast_in_dim3A_607 = vector.broadcast %jit3A_606 : f32 to vector<1024x128xf32>
    %select_n3A_608 = arith.select %lt3A_604, %broadcast_in_dim3A_607, %select_n3A_595 : vector<1024x128xi1>, vector<1024x128xf32>
    %get3A_609 = arith.constant 0 : index
    %get3A_610 = arith.constant 5632 : index
    %get3A_611 = vector.load %arg5[%get3A_609, %get3A_610] : memref<1x8192xf32, #tpu.memory_space<vmem>>, vector<1x128xf32>
    %add3A_612 = vector.broadcast %broadcast_in_dim3A : vector<1024x1xf32> to vector<1024x128xf32>
    %add3A_613 = vector.broadcast %get3A_611 : vector<1x128xf32> to vector<1024x128xf32>
    %add3A_614 = arith.addf %add3A_612, %add3A_613 : vector<1024x128xf32>
    %slice3A_615 = vector.extract_strided_slice %dot_general3A_556 {offsets = [0, 512], sizes = [1024, 128], strides = [1, 1]} : vector<1024x1024xf32> to vector<1024x128xf32>
    %add3A_616 = arith.addf %add3A_614, %slice3A_615 : vector<1024x128xf32>
    %lt3A_617 = arith.cmpf olt, %add3A_616, %min3A_605 : vector<1024x128xf32>
    %min3A_618 = arith.minimumf %add3A_616, %min3A_605 : vector<1024x128xf32>
    %jit3A_619 = arith.constant 4.400000e+01 : f32
    %broadcast_in_dim3A_620 = vector.broadcast %jit3A_619 : f32 to vector<1024x128xf32>
    %select_n3A_621 = arith.select %lt3A_617, %broadcast_in_dim3A_620, %select_n3A_608 : vector<1024x128xi1>, vector<1024x128xf32>
    %get3A_622 = arith.constant 0 : index
    %get3A_623 = arith.constant 5760 : index
    %get3A_624 = vector.load %arg5[%get3A_622, %get3A_623] : memref<1x8192xf32, #tpu.memory_space<vmem>>, vector<1x128xf32>
    %add3A_625 = vector.broadcast %broadcast_in_dim3A : vector<1024x1xf32> to vector<1024x128xf32>
    %add3A_626 = vector.broadcast %get3A_624 : vector<1x128xf32> to vector<1024x128xf32>
    %add3A_627 = arith.addf %add3A_625, %add3A_626 : vector<1024x128xf32>
    %slice3A_628 = vector.extract_strided_slice %dot_general3A_556 {offsets = [0, 640], sizes = [1024, 128], strides = [1, 1]} : vector<1024x1024xf32> to vector<1024x128xf32>
    %add3A_629 = arith.addf %add3A_627, %slice3A_628 : vector<1024x128xf32>
    %lt3A_630 = arith.cmpf olt, %add3A_629, %min3A_618 : vector<1024x128xf32>
    %min3A_631 = arith.minimumf %add3A_629, %min3A_618 : vector<1024x128xf32>
    %jit3A_632 = arith.constant 4.500000e+01 : f32
    %broadcast_in_dim3A_633 = vector.broadcast %jit3A_632 : f32 to vector<1024x128xf32>
    %select_n3A_634 = arith.select %lt3A_630, %broadcast_in_dim3A_633, %select_n3A_621 : vector<1024x128xi1>, vector<1024x128xf32>
    %get3A_635 = arith.constant 0 : index
    %get3A_636 = arith.constant 5888 : index
    %get3A_637 = vector.load %arg5[%get3A_635, %get3A_636] : memref<1x8192xf32, #tpu.memory_space<vmem>>, vector<1x128xf32>
    %add3A_638 = vector.broadcast %broadcast_in_dim3A : vector<1024x1xf32> to vector<1024x128xf32>
    %add3A_639 = vector.broadcast %get3A_637 : vector<1x128xf32> to vector<1024x128xf32>
    %add3A_640 = arith.addf %add3A_638, %add3A_639 : vector<1024x128xf32>
    %slice3A_641 = vector.extract_strided_slice %dot_general3A_556 {offsets = [0, 768], sizes = [1024, 128], strides = [1, 1]} : vector<1024x1024xf32> to vector<1024x128xf32>
    %add3A_642 = arith.addf %add3A_640, %slice3A_641 : vector<1024x128xf32>
    %lt3A_643 = arith.cmpf olt, %add3A_642, %min3A_631 : vector<1024x128xf32>
    %min3A_644 = arith.minimumf %add3A_642, %min3A_631 : vector<1024x128xf32>
    %jit3A_645 = arith.constant 4.600000e+01 : f32
    %broadcast_in_dim3A_646 = vector.broadcast %jit3A_645 : f32 to vector<1024x128xf32>
    %select_n3A_647 = arith.select %lt3A_643, %broadcast_in_dim3A_646, %select_n3A_634 : vector<1024x128xi1>, vector<1024x128xf32>
    %get3A_648 = arith.constant 0 : index
    %get3A_649 = arith.constant 6016 : index
    %get3A_650 = vector.load %arg5[%get3A_648, %get3A_649] : memref<1x8192xf32, #tpu.memory_space<vmem>>, vector<1x128xf32>
    %add3A_651 = vector.broadcast %broadcast_in_dim3A : vector<1024x1xf32> to vector<1024x128xf32>
    %add3A_652 = vector.broadcast %get3A_650 : vector<1x128xf32> to vector<1024x128xf32>
    %add3A_653 = arith.addf %add3A_651, %add3A_652 : vector<1024x128xf32>
    %slice3A_654 = vector.extract_strided_slice %dot_general3A_556 {offsets = [0, 896], sizes = [1024, 128], strides = [1, 1]} : vector<1024x1024xf32> to vector<1024x128xf32>
    %add3A_655 = arith.addf %add3A_653, %slice3A_654 : vector<1024x128xf32>
    %lt3A_656 = arith.cmpf olt, %add3A_655, %min3A_644 : vector<1024x128xf32>
    %min3A_657 = arith.minimumf %add3A_655, %min3A_644 : vector<1024x128xf32>
    %jit3A_658 = arith.constant 4.700000e+01 : f32
    %broadcast_in_dim3A_659 = vector.broadcast %jit3A_658 : f32 to vector<1024x128xf32>
    %select_n3A_660 = arith.select %lt3A_656, %broadcast_in_dim3A_659, %select_n3A_647 : vector<1024x128xi1>, vector<1024x128xf32>
    %get3A_661 = arith.constant 0 : index
    %get3A_662 = arith.constant 6144 : index
    %get3A_663 = vector.load %arg2[%get3A_661, %get3A_662] : memref<32x8192xf32, #tpu.memory_space<vmem>>, vector<32x1024xf32>
    %dot_general3A_664 = arith.constant dense<0.000000e+00> : vector<1024x1024xf32>
    %dot_general3A_665 = tpu.matmul %mul3A_9, %get3A_663, %dot_general3A_664 {dimension_numbers = #tpu.dot_dimension_numbers<[0], [0], [1], [1], [0, 1, 1, 1], [], []>, transpose_lhs_hint = false} : vector<32x1024xf32>, vector<32x1024xf32>, vector<1024x1024xf32> -> vector<1024x1024xf32>
    %get3A_666 = arith.constant 0 : index
    %get3A_667 = arith.constant 6144 : index
    %get3A_668 = vector.load %arg5[%get3A_666, %get3A_667] : memref<1x8192xf32, #tpu.memory_space<vmem>>, vector<1x128xf32>
    %add3A_669 = vector.broadcast %broadcast_in_dim3A : vector<1024x1xf32> to vector<1024x128xf32>
    %add3A_670 = vector.broadcast %get3A_668 : vector<1x128xf32> to vector<1024x128xf32>
    %add3A_671 = arith.addf %add3A_669, %add3A_670 : vector<1024x128xf32>
    %slice3A_672 = vector.extract_strided_slice %dot_general3A_665 {offsets = [0, 0], sizes = [1024, 128], strides = [1, 1]} : vector<1024x1024xf32> to vector<1024x128xf32>
    %add3A_673 = arith.addf %add3A_671, %slice3A_672 : vector<1024x128xf32>
    %lt3A_674 = arith.cmpf olt, %add3A_673, %min3A_657 : vector<1024x128xf32>
    %min3A_675 = arith.minimumf %add3A_673, %min3A_657 : vector<1024x128xf32>
    %jit3A_676 = arith.constant 4.800000e+01 : f32
    %broadcast_in_dim3A_677 = vector.broadcast %jit3A_676 : f32 to vector<1024x128xf32>
    %select_n3A_678 = arith.select %lt3A_674, %broadcast_in_dim3A_677, %select_n3A_660 : vector<1024x128xi1>, vector<1024x128xf32>
    %get3A_679 = arith.constant 0 : index
    %get3A_680 = arith.constant 6272 : index
    %get3A_681 = vector.load %arg5[%get3A_679, %get3A_680] : memref<1x8192xf32, #tpu.memory_space<vmem>>, vector<1x128xf32>
    %add3A_682 = vector.broadcast %broadcast_in_dim3A : vector<1024x1xf32> to vector<1024x128xf32>
    %add3A_683 = vector.broadcast %get3A_681 : vector<1x128xf32> to vector<1024x128xf32>
    %add3A_684 = arith.addf %add3A_682, %add3A_683 : vector<1024x128xf32>
    %slice3A_685 = vector.extract_strided_slice %dot_general3A_665 {offsets = [0, 128], sizes = [1024, 128], strides = [1, 1]} : vector<1024x1024xf32> to vector<1024x128xf32>
    %add3A_686 = arith.addf %add3A_684, %slice3A_685 : vector<1024x128xf32>
    %lt3A_687 = arith.cmpf olt, %add3A_686, %min3A_675 : vector<1024x128xf32>
    %min3A_688 = arith.minimumf %add3A_686, %min3A_675 : vector<1024x128xf32>
    %jit3A_689 = arith.constant 4.900000e+01 : f32
    %broadcast_in_dim3A_690 = vector.broadcast %jit3A_689 : f32 to vector<1024x128xf32>
    %select_n3A_691 = arith.select %lt3A_687, %broadcast_in_dim3A_690, %select_n3A_678 : vector<1024x128xi1>, vector<1024x128xf32>
    %get3A_692 = arith.constant 0 : index
    %get3A_693 = arith.constant 6400 : index
    %get3A_694 = vector.load %arg5[%get3A_692, %get3A_693] : memref<1x8192xf32, #tpu.memory_space<vmem>>, vector<1x128xf32>
    %add3A_695 = vector.broadcast %broadcast_in_dim3A : vector<1024x1xf32> to vector<1024x128xf32>
    %add3A_696 = vector.broadcast %get3A_694 : vector<1x128xf32> to vector<1024x128xf32>
    %add3A_697 = arith.addf %add3A_695, %add3A_696 : vector<1024x128xf32>
    %slice3A_698 = vector.extract_strided_slice %dot_general3A_665 {offsets = [0, 256], sizes = [1024, 128], strides = [1, 1]} : vector<1024x1024xf32> to vector<1024x128xf32>
    %add3A_699 = arith.addf %add3A_697, %slice3A_698 : vector<1024x128xf32>
    %lt3A_700 = arith.cmpf olt, %add3A_699, %min3A_688 : vector<1024x128xf32>
    %min3A_701 = arith.minimumf %add3A_699, %min3A_688 : vector<1024x128xf32>
    %jit3A_702 = arith.constant 5.000000e+01 : f32
    %broadcast_in_dim3A_703 = vector.broadcast %jit3A_702 : f32 to vector<1024x128xf32>
    %select_n3A_704 = arith.select %lt3A_700, %broadcast_in_dim3A_703, %select_n3A_691 : vector<1024x128xi1>, vector<1024x128xf32>
    %get3A_705 = arith.constant 0 : index
    %get3A_706 = arith.constant 6528 : index
    %get3A_707 = vector.load %arg5[%get3A_705, %get3A_706] : memref<1x8192xf32, #tpu.memory_space<vmem>>, vector<1x128xf32>
    %add3A_708 = vector.broadcast %broadcast_in_dim3A : vector<1024x1xf32> to vector<1024x128xf32>
    %add3A_709 = vector.broadcast %get3A_707 : vector<1x128xf32> to vector<1024x128xf32>
    %add3A_710 = arith.addf %add3A_708, %add3A_709 : vector<1024x128xf32>
    %slice3A_711 = vector.extract_strided_slice %dot_general3A_665 {offsets = [0, 384], sizes = [1024, 128], strides = [1, 1]} : vector<1024x1024xf32> to vector<1024x128xf32>
    %add3A_712 = arith.addf %add3A_710, %slice3A_711 : vector<1024x128xf32>
    %lt3A_713 = arith.cmpf olt, %add3A_712, %min3A_701 : vector<1024x128xf32>
    %min3A_714 = arith.minimumf %add3A_712, %min3A_701 : vector<1024x128xf32>
    %jit3A_715 = arith.constant 5.100000e+01 : f32
    %broadcast_in_dim3A_716 = vector.broadcast %jit3A_715 : f32 to vector<1024x128xf32>
    %select_n3A_717 = arith.select %lt3A_713, %broadcast_in_dim3A_716, %select_n3A_704 : vector<1024x128xi1>, vector<1024x128xf32>
    %get3A_718 = arith.constant 0 : index
    %get3A_719 = arith.constant 6656 : index
    %get3A_720 = vector.load %arg5[%get3A_718, %get3A_719] : memref<1x8192xf32, #tpu.memory_space<vmem>>, vector<1x128xf32>
    %add3A_721 = vector.broadcast %broadcast_in_dim3A : vector<1024x1xf32> to vector<1024x128xf32>
    %add3A_722 = vector.broadcast %get3A_720 : vector<1x128xf32> to vector<1024x128xf32>
    %add3A_723 = arith.addf %add3A_721, %add3A_722 : vector<1024x128xf32>
    %slice3A_724 = vector.extract_strided_slice %dot_general3A_665 {offsets = [0, 512], sizes = [1024, 128], strides = [1, 1]} : vector<1024x1024xf32> to vector<1024x128xf32>
    %add3A_725 = arith.addf %add3A_723, %slice3A_724 : vector<1024x128xf32>
    %lt3A_726 = arith.cmpf olt, %add3A_725, %min3A_714 : vector<1024x128xf32>
    %min3A_727 = arith.minimumf %add3A_725, %min3A_714 : vector<1024x128xf32>
    %jit3A_728 = arith.constant 5.200000e+01 : f32
    %broadcast_in_dim3A_729 = vector.broadcast %jit3A_728 : f32 to vector<1024x128xf32>
    %select_n3A_730 = arith.select %lt3A_726, %broadcast_in_dim3A_729, %select_n3A_717 : vector<1024x128xi1>, vector<1024x128xf32>
    %get3A_731 = arith.constant 0 : index
    %get3A_732 = arith.constant 6784 : index
    %get3A_733 = vector.load %arg5[%get3A_731, %get3A_732] : memref<1x8192xf32, #tpu.memory_space<vmem>>, vector<1x128xf32>
    %add3A_734 = vector.broadcast %broadcast_in_dim3A : vector<1024x1xf32> to vector<1024x128xf32>
    %add3A_735 = vector.broadcast %get3A_733 : vector<1x128xf32> to vector<1024x128xf32>
    %add3A_736 = arith.addf %add3A_734, %add3A_735 : vector<1024x128xf32>
    %slice3A_737 = vector.extract_strided_slice %dot_general3A_665 {offsets = [0, 640], sizes = [1024, 128], strides = [1, 1]} : vector<1024x1024xf32> to vector<1024x128xf32>
    %add3A_738 = arith.addf %add3A_736, %slice3A_737 : vector<1024x128xf32>
    %lt3A_739 = arith.cmpf olt, %add3A_738, %min3A_727 : vector<1024x128xf32>
    %min3A_740 = arith.minimumf %add3A_738, %min3A_727 : vector<1024x128xf32>
    %jit3A_741 = arith.constant 5.300000e+01 : f32
    %broadcast_in_dim3A_742 = vector.broadcast %jit3A_741 : f32 to vector<1024x128xf32>
    %select_n3A_743 = arith.select %lt3A_739, %broadcast_in_dim3A_742, %select_n3A_730 : vector<1024x128xi1>, vector<1024x128xf32>
    %get3A_744 = arith.constant 0 : index
    %get3A_745 = arith.constant 6912 : index
    %get3A_746 = vector.load %arg5[%get3A_744, %get3A_745] : memref<1x8192xf32, #tpu.memory_space<vmem>>, vector<1x128xf32>
    %add3A_747 = vector.broadcast %broadcast_in_dim3A : vector<1024x1xf32> to vector<1024x128xf32>
    %add3A_748 = vector.broadcast %get3A_746 : vector<1x128xf32> to vector<1024x128xf32>
    %add3A_749 = arith.addf %add3A_747, %add3A_748 : vector<1024x128xf32>
    %slice3A_750 = vector.extract_strided_slice %dot_general3A_665 {offsets = [0, 768], sizes = [1024, 128], strides = [1, 1]} : vector<1024x1024xf32> to vector<1024x128xf32>
    %add3A_751 = arith.addf %add3A_749, %slice3A_750 : vector<1024x128xf32>
    %lt3A_752 = arith.cmpf olt, %add3A_751, %min3A_740 : vector<1024x128xf32>
    %min3A_753 = arith.minimumf %add3A_751, %min3A_740 : vector<1024x128xf32>
    %jit3A_754 = arith.constant 5.400000e+01 : f32
    %broadcast_in_dim3A_755 = vector.broadcast %jit3A_754 : f32 to vector<1024x128xf32>
    %select_n3A_756 = arith.select %lt3A_752, %broadcast_in_dim3A_755, %select_n3A_743 : vector<1024x128xi1>, vector<1024x128xf32>
    %get3A_757 = arith.constant 0 : index
    %get3A_758 = arith.constant 7040 : index
    %get3A_759 = vector.load %arg5[%get3A_757, %get3A_758] : memref<1x8192xf32, #tpu.memory_space<vmem>>, vector<1x128xf32>
    %add3A_760 = vector.broadcast %broadcast_in_dim3A : vector<1024x1xf32> to vector<1024x128xf32>
    %add3A_761 = vector.broadcast %get3A_759 : vector<1x128xf32> to vector<1024x128xf32>
    %add3A_762 = arith.addf %add3A_760, %add3A_761 : vector<1024x128xf32>
    %slice3A_763 = vector.extract_strided_slice %dot_general3A_665 {offsets = [0, 896], sizes = [1024, 128], strides = [1, 1]} : vector<1024x1024xf32> to vector<1024x128xf32>
    %add3A_764 = arith.addf %add3A_762, %slice3A_763 : vector<1024x128xf32>
    %lt3A_765 = arith.cmpf olt, %add3A_764, %min3A_753 : vector<1024x128xf32>
    %min3A_766 = arith.minimumf %add3A_764, %min3A_753 : vector<1024x128xf32>
    %jit3A_767 = arith.constant 5.500000e+01 : f32
    %broadcast_in_dim3A_768 = vector.broadcast %jit3A_767 : f32 to vector<1024x128xf32>
    %select_n3A_769 = arith.select %lt3A_765, %broadcast_in_dim3A_768, %select_n3A_756 : vector<1024x128xi1>, vector<1024x128xf32>
    %get3A_770 = arith.constant 0 : index
    %get3A_771 = arith.constant 7168 : index
    %get3A_772 = vector.load %arg2[%get3A_770, %get3A_771] : memref<32x8192xf32, #tpu.memory_space<vmem>>, vector<32x1024xf32>
    %dot_general3A_773 = arith.constant dense<0.000000e+00> : vector<1024x1024xf32>
    %dot_general3A_774 = tpu.matmul %mul3A_9, %get3A_772, %dot_general3A_773 {dimension_numbers = #tpu.dot_dimension_numbers<[0], [0], [1], [1], [0, 1, 1, 1], [], []>, transpose_lhs_hint = false} : vector<32x1024xf32>, vector<32x1024xf32>, vector<1024x1024xf32> -> vector<1024x1024xf32>
    %get3A_775 = arith.constant 0 : index
    %get3A_776 = arith.constant 7168 : index
    %get3A_777 = vector.load %arg5[%get3A_775, %get3A_776] : memref<1x8192xf32, #tpu.memory_space<vmem>>, vector<1x128xf32>
    %add3A_778 = vector.broadcast %broadcast_in_dim3A : vector<1024x1xf32> to vector<1024x128xf32>
    %add3A_779 = vector.broadcast %get3A_777 : vector<1x128xf32> to vector<1024x128xf32>
    %add3A_780 = arith.addf %add3A_778, %add3A_779 : vector<1024x128xf32>
    %slice3A_781 = vector.extract_strided_slice %dot_general3A_774 {offsets = [0, 0], sizes = [1024, 128], strides = [1, 1]} : vector<1024x1024xf32> to vector<1024x128xf32>
    %add3A_782 = arith.addf %add3A_780, %slice3A_781 : vector<1024x128xf32>
    %lt3A_783 = arith.cmpf olt, %add3A_782, %min3A_766 : vector<1024x128xf32>
    %min3A_784 = arith.minimumf %add3A_782, %min3A_766 : vector<1024x128xf32>
    %jit3A_785 = arith.constant 5.600000e+01 : f32
    %broadcast_in_dim3A_786 = vector.broadcast %jit3A_785 : f32 to vector<1024x128xf32>
    %select_n3A_787 = arith.select %lt3A_783, %broadcast_in_dim3A_786, %select_n3A_769 : vector<1024x128xi1>, vector<1024x128xf32>
    %get3A_788 = arith.constant 0 : index
    %get3A_789 = arith.constant 7296 : index
    %get3A_790 = vector.load %arg5[%get3A_788, %get3A_789] : memref<1x8192xf32, #tpu.memory_space<vmem>>, vector<1x128xf32>
    %add3A_791 = vector.broadcast %broadcast_in_dim3A : vector<1024x1xf32> to vector<1024x128xf32>
    %add3A_792 = vector.broadcast %get3A_790 : vector<1x128xf32> to vector<1024x128xf32>
    %add3A_793 = arith.addf %add3A_791, %add3A_792 : vector<1024x128xf32>
    %slice3A_794 = vector.extract_strided_slice %dot_general3A_774 {offsets = [0, 128], sizes = [1024, 128], strides = [1, 1]} : vector<1024x1024xf32> to vector<1024x128xf32>
    %add3A_795 = arith.addf %add3A_793, %slice3A_794 : vector<1024x128xf32>
    %lt3A_796 = arith.cmpf olt, %add3A_795, %min3A_784 : vector<1024x128xf32>
    %min3A_797 = arith.minimumf %add3A_795, %min3A_784 : vector<1024x128xf32>
    %jit3A_798 = arith.constant 5.700000e+01 : f32
    %broadcast_in_dim3A_799 = vector.broadcast %jit3A_798 : f32 to vector<1024x128xf32>
    %select_n3A_800 = arith.select %lt3A_796, %broadcast_in_dim3A_799, %select_n3A_787 : vector<1024x128xi1>, vector<1024x128xf32>
    %get3A_801 = arith.constant 0 : index
    %get3A_802 = arith.constant 7424 : index
    %get3A_803 = vector.load %arg5[%get3A_801, %get3A_802] : memref<1x8192xf32, #tpu.memory_space<vmem>>, vector<1x128xf32>
    %add3A_804 = vector.broadcast %broadcast_in_dim3A : vector<1024x1xf32> to vector<1024x128xf32>
    %add3A_805 = vector.broadcast %get3A_803 : vector<1x128xf32> to vector<1024x128xf32>
    %add3A_806 = arith.addf %add3A_804, %add3A_805 : vector<1024x128xf32>
    %slice3A_807 = vector.extract_strided_slice %dot_general3A_774 {offsets = [0, 256], sizes = [1024, 128], strides = [1, 1]} : vector<1024x1024xf32> to vector<1024x128xf32>
    %add3A_808 = arith.addf %add3A_806, %slice3A_807 : vector<1024x128xf32>
    %lt3A_809 = arith.cmpf olt, %add3A_808, %min3A_797 : vector<1024x128xf32>
    %min3A_810 = arith.minimumf %add3A_808, %min3A_797 : vector<1024x128xf32>
    %jit3A_811 = arith.constant 5.800000e+01 : f32
    %broadcast_in_dim3A_812 = vector.broadcast %jit3A_811 : f32 to vector<1024x128xf32>
    %select_n3A_813 = arith.select %lt3A_809, %broadcast_in_dim3A_812, %select_n3A_800 : vector<1024x128xi1>, vector<1024x128xf32>
    %get3A_814 = arith.constant 0 : index
    %get3A_815 = arith.constant 7552 : index
    %get3A_816 = vector.load %arg5[%get3A_814, %get3A_815] : memref<1x8192xf32, #tpu.memory_space<vmem>>, vector<1x128xf32>
    %add3A_817 = vector.broadcast %broadcast_in_dim3A : vector<1024x1xf32> to vector<1024x128xf32>
    %add3A_818 = vector.broadcast %get3A_816 : vector<1x128xf32> to vector<1024x128xf32>
    %add3A_819 = arith.addf %add3A_817, %add3A_818 : vector<1024x128xf32>
    %slice3A_820 = vector.extract_strided_slice %dot_general3A_774 {offsets = [0, 384], sizes = [1024, 128], strides = [1, 1]} : vector<1024x1024xf32> to vector<1024x128xf32>
    %add3A_821 = arith.addf %add3A_819, %slice3A_820 : vector<1024x128xf32>
    %lt3A_822 = arith.cmpf olt, %add3A_821, %min3A_810 : vector<1024x128xf32>
    %min3A_823 = arith.minimumf %add3A_821, %min3A_810 : vector<1024x128xf32>
    %jit3A_824 = arith.constant 5.900000e+01 : f32
    %broadcast_in_dim3A_825 = vector.broadcast %jit3A_824 : f32 to vector<1024x128xf32>
    %select_n3A_826 = arith.select %lt3A_822, %broadcast_in_dim3A_825, %select_n3A_813 : vector<1024x128xi1>, vector<1024x128xf32>
    %get3A_827 = arith.constant 0 : index
    %get3A_828 = arith.constant 7680 : index
    %get3A_829 = vector.load %arg5[%get3A_827, %get3A_828] : memref<1x8192xf32, #tpu.memory_space<vmem>>, vector<1x128xf32>
    %add3A_830 = vector.broadcast %broadcast_in_dim3A : vector<1024x1xf32> to vector<1024x128xf32>
    %add3A_831 = vector.broadcast %get3A_829 : vector<1x128xf32> to vector<1024x128xf32>
    %add3A_832 = arith.addf %add3A_830, %add3A_831 : vector<1024x128xf32>
    %slice3A_833 = vector.extract_strided_slice %dot_general3A_774 {offsets = [0, 512], sizes = [1024, 128], strides = [1, 1]} : vector<1024x1024xf32> to vector<1024x128xf32>
    %add3A_834 = arith.addf %add3A_832, %slice3A_833 : vector<1024x128xf32>
    %lt3A_835 = arith.cmpf olt, %add3A_834, %min3A_823 : vector<1024x128xf32>
    %min3A_836 = arith.minimumf %add3A_834, %min3A_823 : vector<1024x128xf32>
    %jit3A_837 = arith.constant 6.000000e+01 : f32
    %broadcast_in_dim3A_838 = vector.broadcast %jit3A_837 : f32 to vector<1024x128xf32>
    %select_n3A_839 = arith.select %lt3A_835, %broadcast_in_dim3A_838, %select_n3A_826 : vector<1024x128xi1>, vector<1024x128xf32>
    %get3A_840 = arith.constant 0 : index
    %get3A_841 = arith.constant 7808 : index
    %get3A_842 = vector.load %arg5[%get3A_840, %get3A_841] : memref<1x8192xf32, #tpu.memory_space<vmem>>, vector<1x128xf32>
    %add3A_843 = vector.broadcast %broadcast_in_dim3A : vector<1024x1xf32> to vector<1024x128xf32>
    %add3A_844 = vector.broadcast %get3A_842 : vector<1x128xf32> to vector<1024x128xf32>
    %add3A_845 = arith.addf %add3A_843, %add3A_844 : vector<1024x128xf32>
    %slice3A_846 = vector.extract_strided_slice %dot_general3A_774 {offsets = [0, 640], sizes = [1024, 128], strides = [1, 1]} : vector<1024x1024xf32> to vector<1024x128xf32>
    %add3A_847 = arith.addf %add3A_845, %slice3A_846 : vector<1024x128xf32>
    %lt3A_848 = arith.cmpf olt, %add3A_847, %min3A_836 : vector<1024x128xf32>
    %min3A_849 = arith.minimumf %add3A_847, %min3A_836 : vector<1024x128xf32>
    %jit3A_850 = arith.constant 6.100000e+01 : f32
    %broadcast_in_dim3A_851 = vector.broadcast %jit3A_850 : f32 to vector<1024x128xf32>
    %select_n3A_852 = arith.select %lt3A_848, %broadcast_in_dim3A_851, %select_n3A_839 : vector<1024x128xi1>, vector<1024x128xf32>
    %get3A_853 = arith.constant 0 : index
    %get3A_854 = arith.constant 7936 : index
    %get3A_855 = vector.load %arg5[%get3A_853, %get3A_854] : memref<1x8192xf32, #tpu.memory_space<vmem>>, vector<1x128xf32>
    %add3A_856 = vector.broadcast %broadcast_in_dim3A : vector<1024x1xf32> to vector<1024x128xf32>
    %add3A_857 = vector.broadcast %get3A_855 : vector<1x128xf32> to vector<1024x128xf32>
    %add3A_858 = arith.addf %add3A_856, %add3A_857 : vector<1024x128xf32>
    %slice3A_859 = vector.extract_strided_slice %dot_general3A_774 {offsets = [0, 768], sizes = [1024, 128], strides = [1, 1]} : vector<1024x1024xf32> to vector<1024x128xf32>
    %add3A_860 = arith.addf %add3A_858, %slice3A_859 : vector<1024x128xf32>
    %lt3A_861 = arith.cmpf olt, %add3A_860, %min3A_849 : vector<1024x128xf32>
    %min3A_862 = arith.minimumf %add3A_860, %min3A_849 : vector<1024x128xf32>
    %jit3A_863 = arith.constant 6.200000e+01 : f32
    %broadcast_in_dim3A_864 = vector.broadcast %jit3A_863 : f32 to vector<1024x128xf32>
    %select_n3A_865 = arith.select %lt3A_861, %broadcast_in_dim3A_864, %select_n3A_852 : vector<1024x128xi1>, vector<1024x128xf32>
    %get3A_866 = arith.constant 0 : index
    %get3A_867 = arith.constant 8064 : index
    %get3A_868 = vector.load %arg5[%get3A_866, %get3A_867] : memref<1x8192xf32, #tpu.memory_space<vmem>>, vector<1x128xf32>
    %add3A_869 = vector.broadcast %broadcast_in_dim3A : vector<1024x1xf32> to vector<1024x128xf32>
    %add3A_870 = vector.broadcast %get3A_868 : vector<1x128xf32> to vector<1024x128xf32>
    %add3A_871 = arith.addf %add3A_869, %add3A_870 : vector<1024x128xf32>
    %slice3A_872 = vector.extract_strided_slice %dot_general3A_774 {offsets = [0, 896], sizes = [1024, 128], strides = [1, 1]} : vector<1024x1024xf32> to vector<1024x128xf32>
    %add3A_873 = arith.addf %add3A_871, %slice3A_872 : vector<1024x128xf32>
    %lt3A_874 = arith.cmpf olt, %add3A_873, %min3A_862 : vector<1024x128xf32>
    %min3A_875 = arith.minimumf %add3A_873, %min3A_862 : vector<1024x128xf32>
    %jit3A_876 = arith.constant 6.300000e+01 : f32
    %broadcast_in_dim3A_877 = vector.broadcast %jit3A_876 : f32 to vector<1024x128xf32>
    %select_n3A_878 = arith.select %lt3A_874, %broadcast_in_dim3A_877, %select_n3A_865 : vector<1024x128xi1>, vector<1024x128xf32>
    %reduce_min3A = arith.constant dense<0x7F800000> : vector<1024xf32>
    %reduce_min3A_879 = vector.multi_reduction <minimumf>, %min3A_875, %reduce_min3A [1] : vector<1024x128xf32> to vector<1024xf32>
    %broadcast_in_dim3A_880 = vector.shape_cast %reduce_min3A_879 : vector<1024xf32> to vector<1024x1xf32>
    %iota3A = tpu.iota {dimensions = array<i32: 1>} : vector<1024x128xi32>
    %convert_element_type3A_881 = arith.sitofp %iota3A : vector<1024x128xi32> to vector<1024x128xf32>
    %eq3A_882 = vector.broadcast %broadcast_in_dim3A_880 : vector<1024x1xf32> to vector<1024x128xf32>
    %eq3A_883 = arith.cmpf oeq, %min3A_875, %eq3A_882 : vector<1024x128xf32>
    %mul3A_884 = arith.constant 1.280000e+02 : f32
    %mul3A_885 = vector.broadcast %mul3A_884 : f32 to vector<1024x128xf32>
    %mul3A_886 = arith.mulf %select_n3A_878, %mul3A_885 : vector<1024x128xf32>
    %add3A_887 = arith.addf %mul3A_886, %convert_element_type3A_881 : vector<1024x128xf32>
    %jit3A_888 = arith.constant 1.000000e+09 : f32
    %broadcast_in_dim3A_889 = vector.broadcast %jit3A_888 : f32 to vector<1024x128xf32>
    %select_n3A_890 = arith.select %eq3A_883, %add3A_887, %broadcast_in_dim3A_889 : vector<1024x128xi1>, vector<1024x128xf32>
    %reduce_min3A_891 = arith.constant dense<0x7F800000> : vector<1024xf32>
    %reduce_min3A_892 = vector.multi_reduction <minimumf>, %select_n3A_890, %reduce_min3A_891 [1] : vector<1024x128xf32> to vector<1024xf32>
    %convert_element_type3A_893 = arith.fptosi %reduce_min3A_892 : vector<1024xf32> to vector<1024xi32>
    %swap3A = arith.constant 0 : index
    %swap3A_894 = arith.constant 0 : index
    %swap3A_895 = arith.constant 0 : index
    %swap3A_896 = vector.load %arg3[%swap3A, %swap3A_894, %swap3A_895] : memref<1x1x1024xi32, #tpu.memory_space<vmem>>, vector<1x1x1024xi32>
    %swap3A_897 = vector.shape_cast %swap3A_896 : vector<1x1x1024xi32> to vector<1024xi32>
    %swap3A_898 = vector.shape_cast %convert_element_type3A_893 : vector<1024xi32> to vector<1x1x1024xi32>
    tpu.vector_store %arg3[%swap3A, %swap3A_894, %swap3A_895], %swap3A_898 {strides = array<i32>} : memref<1x1x1024xi32, #tpu.memory_space<vmem>>, vector<1x1x1024xi32>,
    %reduce_sum3A_899 = vector.shape_cast %broadcast_in_dim3A_880 : vector<1024x1xf32> to vector<1x1024x1xf32>
    %reduce_sum3A_900 = arith.constant dense<0.000000e+00> : vector<1xf32>
    %reduce_sum3A_901 = vector.multi_reduction <add>, %reduce_sum3A_899, %reduce_sum3A_900 [1, 2] : vector<1x1024x1xf32> to vector<1xf32>
    %reduce_sum3A_902 = vector.shape_cast %reduce_sum3A_901 : vector<1xf32> to vector<1x1x1xf32>
    %reduce_sum3A_903 = vector.extract %reduce_sum3A_902[0, 0, 0] : f32 from vector<1x1x1xf32>
    %eq3A_904 = arith.constant 0 : i32
    %eq3A_905 = arith.cmpi eq, %arg0, %eq3A_904 : i32
    %convert_element_type3A_906 = arith.extui %eq3A_905 : i1 to i32
    %cond3A_907 = arith.constant 0 : i32
    %cond3A_908 = arith.cmpi ne, %convert_element_type3A_906, %cond3A_907 : i32
    scf.if %cond3A_908 {
      %swap3A_913 = arith.constant 0 : index
      %swap3A_914 = arith.constant 0 : index
      %swap3A_915 = memref.load %arg4[%swap3A_913, %swap3A_914] : memref<1x1xf32, #tpu.memory_space<smem>>
      memref.store %reduce_sum3A_903, %arg4[%swap3A_913, %swap3A_914] : memref<1x1xf32, #tpu.memory_space<smem>>
    } else {
    }
    %ne3A = arith.constant 0 : i32
    %ne3A_909 = arith.cmpi ne, %arg0, %ne3A : i32
    %convert_element_type3A_910 = arith.extui %ne3A_909 : i1 to i32
    %cond3A_911 = arith.constant 0 : i32
    %cond3A_912 = arith.cmpi ne, %convert_element_type3A_910, %cond3A_911 : i32
    scf.if %cond3A_912 {
      %get3A_913 = arith.constant 0 : index
      %get3A_914 = arith.constant 0 : index
      %get3A_915 = memref.load %arg4[%get3A_913, %get3A_914] : memref<1x1xf32, #tpu.memory_space<smem>>
      %add3A_916 = arith.addf %get3A_915, %reduce_sum3A_903 : f32
      %swap3A_917 = arith.constant 0 : index
      %swap3A_918 = arith.constant 0 : index
      %swap3A_919 = memref.load %arg4[%swap3A_917, %swap3A_918] : memref<1x1xf32, #tpu.memory_space<smem>>
      memref.store %add3A_916, %arg4[%swap3A_917, %swap3A_918] : memref<1x1xf32, #tpu.memory_space<smem>>
    } else {
    }
    return
  }
  func.func @transform_0(%arg0: i32) -> (i32, i32, i32) {
    %jit3A = arith.constant 1 : i32
    %div3A = arith.divsi %arg0, %jit3A : i32
    %sign3A = arith.constant 0 : i32
    %sign3A_0 = arith.cmpi sgt, %arg0, %sign3A : i32
    %sign3A_1 = arith.extui %sign3A_0 : i1 to i32
    %sign3A_2 = arith.constant 0 : i32
    %sign3A_3 = arith.cmpi slt, %arg0, %sign3A_2 : i32
    %sign3A_4 = arith.extui %sign3A_3 : i1 to i32
    %sign3A_5 = arith.subi %sign3A_1, %sign3A_4 : i32
    %sign3A_6 = arith.constant 0 : i32
    %sign3A_7 = arith.cmpi sgt, %jit3A, %sign3A_6 : i32
    %sign3A_8 = arith.extui %sign3A_7 : i1 to i32
    %sign3A_9 = arith.constant 0 : i32
    %sign3A_10 = arith.cmpi slt, %jit3A, %sign3A_9 : i32
    %sign3A_11 = arith.extui %sign3A_10 : i1 to i32
    %sign3A_12 = arith.subi %sign3A_8, %sign3A_11 : i32
    %ne3A = arith.cmpi ne, %sign3A_5, %sign3A_12 : i32
    %rem3A = arith.remsi %arg0, %jit3A : i32
    %ne3A_13 = arith.constant 0 : i32
    %ne3A_14 = arith.cmpi ne, %rem3A, %ne3A_13 : i32
    %and3A = arith.andi %ne3A, %ne3A_14 : i1
    %sub3A = arith.constant 1 : i32
    %sub3A_15 = arith.subi %div3A, %sub3A : i32
    %select_n3A = arith.select %and3A, %sub3A_15, %div3A : i32
    %jit3A_16 = arith.constant 1 : i32
    %eq3A = arith.constant 0 : i32
    %eq3A_17 = arith.cmpi eq, %jit3A_16, %eq3A : i32
    %jit3A_18 = arith.constant 1 : i32
    %select_n3A_19 = arith.select %eq3A_17, %jit3A_18, %jit3A_16 : i32
    %rem3A_20 = arith.remsi %arg0, %select_n3A_19 : i32
    %ne3A_21 = arith.constant 0 : i32
    %ne3A_22 = arith.cmpi ne, %rem3A_20, %ne3A_21 : i32
    %lt3A = arith.constant 0 : i32
    %lt3A_23 = arith.cmpi slt, %rem3A_20, %lt3A : i32
    %lt3A_24 = arith.constant 0 : i32
    %lt3A_25 = arith.cmpi slt, %select_n3A_19, %lt3A_24 : i32
    %ne3A_26 = arith.xori %lt3A_23, %lt3A_25 : i1
    %and3A_27 = arith.andi %ne3A_26, %ne3A_22 : i1
    %add3A = arith.addi %rem3A_20, %select_n3A_19 : i32
    %select_n3A_28 = arith.select %and3A_27, %add3A, %rem3A_20 : i32
    %c0_i32 = arith.constant 0 : i32
    %c0_i32_29 = arith.constant 0 : i32
    return %select_n3A, %c0_i32, %select_n3A_28 : i32, i32, i32
  }
  func.func @transform_1(%arg0: i32) -> (i32, i32) {
    %c0_i32 = arith.constant 0 : i32
    %c0_i32_0 = arith.constant 0 : i32
    %c0_i32_1 = arith.constant 0 : i32
    return %c0_i32, %c0_i32_0 : i32, i32
  }
  func.func @transform_2(%arg0: i32) -> (i32, i32, i32) {
    %c0_i32 = arith.constant 0 : i32
    %c0_i32_0 = arith.constant 0 : i32
    %c0_i32_1 = arith.constant 0 : i32
    return %arg0, %c0_i32, %c0_i32_0 : i32, i32, i32
  }
  func.func @transform_3(%arg0: i32) -> (i32, i32) {
    %c0_i32 = arith.constant 0 : i32
    %c0_i32_0 = arith.constant 0 : i32
    %c0_i32_1 = arith.constant 0 : i32
    return %c0_i32, %c0_i32_0 : i32, i32
  }
}

</mosaic_0001>

<sc_bundles>
// kernel: kernel.4.cloned.1.call-start
scs
__scs_entry_jumppad:
0x0: {  	(pc) =	sbr.rel $0x88, $3  }
0x1: {  	(tag) =	ssettag $0x0;
	lr =	simm.s32 $0x1  }
0x2: {  	[smem:$0x3F9F] =	sst lr;
	_ =	strace $0xD0000000  }
0x3: {  	_ = 	snop  }
0x4: {  	_ = 	snop  }
0x5: {  	_ = 	snop  }
0x6: {  	_ = 	snop  }
0x7: {  	_ = 	snop  }
__scs_overlays_trampoline_lowered:
0x8: {  	[smem:$0x3FAE] =	sst s0  }
0x9: {  	[smem:$0x3FAF] =	sst s1  }
0xa: {  	[smem:$0x3FB0] =	sst s2  }
0xb: {  	[smem:$0x3FB1] =	sst s3  }
0xc: {  	[smem:$0x3FB2] =	sst s4  }
0xd: {  	[smem:$0x3FB3] =	sst s5  }
0xe: {  	[smem:$0x3FB4] =	sst s6  }
0xf: {  	[smem:$0x3FB5] =	sst s7  }
0x10: {  	[smem:$0x3FB6] =	sst s8  }
0x11: {  	[smem:$0x3FB7] =	sst s9;
	s0 =	simm.s32 @!p0 $0x0  }
0x12: {  	s1 =	sld [smem:$0x3F9D];
	s0 =	simm.s32 @p0 $0x1  }
0x13: {  	[smem:$0x3FB8] =	sst s0;
	s0 =	simm.s32 @!p1 $0x0  }
0x14: {  	s2 =	sld [smem:$0x3F9C];
	s0 =	simm.s32 @p1 $0x1  }
0x15: {  	[smem:$0x3FB9] =	sst s0;
	s0 =	simm.s32 @!p2 $0x0  }
0x16: {  	s3 =	sld [smem:$0x3FDB];
	s0 =	simm.s32 @p2 $0x1  }
0x17: {  	s4 =	simm.s32 $0x1BF5;
	[smem:$0x3FBB] =	sst s0  }
0x18: {  	s0 =	sld [smem:$0x3F9E];
	_ =	swait.ge [sflag:s4], $0x0  }
0x19: {  	s7 =	sld [smem:$0x3F9F]  }
0x1a: {  	s8 =	sadd.s32 $0xFFFFE003, lr  }
0x1b: {  	s9 =	sadd.s32 $0xFFFFFEF7, lr;
	s5 =	simm.s32 $0xFFFFFFFF;
	p2 =	slt.u32 s8, $0xFFFFF086  }
0x1c: {  	p1 =	slt.u32 s9, $0xF7A;
	s5 =	simm.s32 @!p2 $0x0  }
0x1d: {  	s5 =	simm.s32 @p1 $0x1;
	p0 =	seq.s32 s7, s2  }
0x1e: {  	s7 =	smul.u32 @!p0 $0xF7A, s2;
	p2 =	seq.s32 @!p0 s5, $0x0  }
0x1f: {  	s9 =	smul.u32 $0xF7A, s1;
	s8 =	simm.s32 @!p0 $0x1BF5;
	p2 =	por !p2, p0  }
0x20: {  	[sflag:s8] =	ssyncset.s32 @!p0 $0xFFFFF086;
	s6 =	sadd.s32 @!p0 s3, s7;
	s7 =	simm.s32 @!p0 $0x108  }
0x21: {  	s3 =	sadd.s32 s3, s9;
	s6 =	sadd.s32 @!p0 $0x88, s6;
	s7 =	simm.s32 @p2 $0x1082  }
0x22: {  	[simem:s7], [sflag:s8] =	dma.local @!p0 [hbm:s6], $0xF7A  }
0x23: {  	s9 =	sor.u32 $0xD0000000, s2;
	s6 =	simm.s32 $0x108;
	_ =	swait.ge @!p0 [sflag:s8], $0x0  }
0x24: {  	s3 =	sadd.s32 $0x88, s3;
	s6 =	simm.s32 @!p1 $0x1082;
	[sflag:s4] =	ssyncset.s32 $0xFFFFF086  }
0x25: {  	[simem:s6], [sflag:s4] =	dma.local [hbm:s3], $0xF7A  }
0x26: {  	[smem:$0x3F9F] =	sst s1;
	(tag) =	ssettag s2;
	_ =	strace s9  }
0x27: {  	s1 =	sld [smem:$0x3FAF]  }
0x28: {  	s2 =	sld [smem:$0x3FB0]  }
0x29: {  	s4 =	sld [smem:$0x3FB2]  }
0x2a: {  	p0 =	seq.s32 s5, $0x0;
	s5 =	sld [smem:$0x3FB3]  }
0x2b: {  	s6 =	sld [smem:$0x3FB4]  }
0x2c: {  	s7 =	sld [smem:$0x3FB5]  }
0x2d: {  	s3 =	simm.s32 $0x108;
	s8 =	sld [smem:$0x3FB6]  }
0x2e: {  	s3 =	simm.s32 @!p0 $0x1082;
	s9 =	sld [smem:$0x3FB7]  }
0x2f: {  	lr =	sadd.s32 s0, s3;
	s0 =	sld [smem:$0x3FAE]  }
0x30: {  	s3 =	sld [smem:$0x3FB1]  }
0x31: {  	[smem:$0x3FBA] =	sst s10  }
0x32: {  	s10 =	sld [smem:$0x3FB8];
	_ =	sdelay $0x3  }
0x33: {  	p0 =	seq.s32 s10, $0x1;
	s10 =	sld [smem:$0x3FBA];
	_ =	sdelay $0x3  }
0x34: {  	[smem:$0x3FBA] =	sst s10  }
0x35: {  	s10 =	sld [smem:$0x3FB9];
	_ =	sdelay $0x3  }
0x36: {  	p1 =	seq.s32 s10, $0x1;
	s10 =	sld [smem:$0x3FBA];
	_ =	sdelay $0x3  }
0x37: {  	[smem:$0x3FBA] =	sst s10  }
0x38: {  	s10 =	sld [smem:$0x3FBB]  }
0x39: {  	_ = 	snop;
	(pc) =	sbr.ind lr, $3  }
0x3a: {  	_ = 	snop  }
0x3b: {  	_ = 	snop  }
0x3c: {  	p2 =	seq.s32 s10, $0x1;
	s10 =	sld [smem:$0x3FBA]  }
0x3d: {  	_ =	shalt  }
0x3e: {  	_ =	shalt  }
0x3f: {  	_ =	shalt  }
0x40: {  	_ =	shalt  }
0x41: {  	_ =	shalt  }
0x42: {  	_ =	shalt  }
0x43: {  	_ =	shalt  }
0x44: {  	_ =	shalt  }
0x45: {  	_ =	shalt  }
0x46: {  	_ =	shalt  }
0x47: {  	_ =	shalt  }
0x48: {  	_ =	shalt  }
0x49: {  	_ =	shalt  }
0x4a: {  	_ =	shalt  }
0x4b: {  	_ =	shalt  }
0x4c: {  	_ =	shalt  }
0x4d: {  	_ =	shalt  }
0x4e: {  	_ =	shalt  }
0x4f: {  	_ =	shalt  }
0x50: {  	_ =	shalt  }
0x51: {  	_ =	shalt  }
0x52: {  	_ =	shalt  }
0x53: {  	_ =	shalt  }
0x54: {  	_ =	shalt  }
0x55: {  	_ =	shalt  }
0x56: {  	_ =	shalt  }
0x57: {  	_ =	shalt  }
0x58: {  	_ =	shalt  }
0x59: {  	_ =	shalt  }
0x5a: {  	_ =	shalt  }
0x5b: {  	_ =	shalt  }
0x5c: {  	_ =	shalt  }
0x5d: {  	_ =	shalt  }
0x5e: {  	_ =	shalt  }
0x5f: {  	_ =	shalt  }
0x60: {  	_ =	shalt  }
0x61: {  	_ =	shalt  }
0x62: {  	_ =	shalt  }
0x63: {  	_ =	shalt  }
0x64: {  	_ =	shalt  }
0x65: {  	_ =	shalt  }
0x66: {  	_ =	shalt  }
0x67: {  	_ =	shalt  }
0x68: {  	_ =	shalt  }
0x69: {  	_ =	shalt  }
0x6a: {  	_ =	shalt  }
0x6b: {  	_ =	shalt  }
0x6c: {  	_ =	shalt  }
0x6d: {  	_ =	shalt  }
0x6e: {  	_ =	shalt  }
0x6f: {  	_ =	shalt  }
0x70: {  	_ =	shalt  }
0x71: {  	_ =	shalt  }
0x72: {  	_ =	shalt  }
0x73: {  	_ =	shalt  }
0x74: {  	_ =	shalt  }
0x75: {  	_ =	shalt  }
0x76: {  	_ =	shalt  }
0x77: {  	_ =	shalt  }
0x78: {  	_ =	shalt  }
0x79: {  	_ =	shalt  }
0x7a: {  	_ =	shalt  }
0x7b: {  	_ =	shalt  }
0x7c: {  	_ =	shalt  }
0x7d: {  	_ =	shalt  }
0x7e: {  	_ =	shalt  }
0x7f: {  	_ =	shalt  }
0x80: {  	_ =	shalt  }
0x81: {  	_ =	shalt  }
0x82: {  	_ =	shalt  }
0x83: {  	_ =	shalt  }
0x84: {  	_ =	shalt  }
0x85: {  	_ =	shalt  }
0x86: {  	_ =	shalt  }
0x87: {  	_ =	shalt  }
.Lfunc_end0:
.L_simem_size_0:
called_computation_lowered:
.L_overlay_start_0:
0x88: {  	s2 =	sld [smem:$0x3FD9]  }
0x89: {  	s3 =	sld [smem:$0x3FFE];
	_ =	sdelay $0x1  }
0x8a: {  	s1 =	srdreg.scid  }
0x8b: {  	s0 =	sand.u32 $0x1, s1  }
0x8c: {  	s14 =	sshll.u32 s0, $0xA;
	s2 =	sadd.s32 s3, s2  }
0x8d: {  	s2 =	sadd.s32 s2, s14  }
0x8e: {  	[smem:$0x3FC6] =	sst s2  }
0x8f: {  	_ = 	snop  }
0x90: {  	s2 =	sld [smem:$0x3FD0];
	_ =	sdelay $0x2  }
0x91: {  	s15 =	simm.s32 $0xA;
	s4 =	simm.s32 $0x10  }
0x92: {  	[smem:s4], [sflag:s15] =	dma.local [hbm:s2], $0x1  }
0x93: {  	_ =	swait.eq [sflag:s15], $0x1  }
0x94: {  	[sflag:s15] =	ssyncset.done $0x0  }
0x95: {  	[sflag:s15] =	ssyncadd.s32 $0xFFFFFFFF  }
0x96: {  	s16 =	sld [smem:$0x10];
	(tm) =	ssettm $0x1  }
0x97: {  	s17 =	sld [smem:$0x3FFB];
	_ =	sdelay $0x3  }
0x98: {  	_ =	strace s17  }
0x99: {  	s3 =	sld [smem:$0x3FFC];
	_ =	sdelay $0x3  }
0x9a: {  	_ =	strace s3  }
0x9b: {  	s3 =	sld [smem:$0x3FFD];
	_ =	sdelay $0x3  }
0x9c: {  	_ =	strace s3  }
0x9d: {  	_ =	strace $0x8FFFFFFF  }
0x9e: {  	s18 =	sld [smem:$0x3FDB];
	_ =	sdelay $0x1  }
0x9f: {  	s19 =	simm.s32 $_scs_section_size  }
0xa0: {  	s5 =	simm.s32 $_size__tile_overlayer_lowered;
	s6 =	simm.s32 $_tile_overlayer_lowered  }
0xa1: {  	s22 =	simm.s32 $0x1BFF;
	s21 =	sshll.u32 s6, $0x1;
	s3 =	sadd.s32 s19, s18  }
0xa2: {  	s7 =	simm.s32 $0x0;
	s20 =	sshll.u32 s5, $0x1;
	s5 =	sadd.s32 s21, s3  }
0xa3: {  	[timem:s7], [sflag:s22] =	dma.local [hbm:s5], s20  }
0xa4: {  	_ =	swait.ge [sflag:s22], s20  }
0xa5: {  	s4 =	ssub.s32 $0x0, s20;
	[sflag:s22] =	ssyncset.done $0x0  }
0xa6: {  	[sflag:s22] =	ssyncadd.s32 s4;
	_ =	sdelay $0x1  }
0xa7: {  	s23 =	simm.s32 $0x1B8B  }
0xa8: {  	_ =	swait.ge [sflag:s23], $0x1  }
0xa9: {  	[sflag:s23] =	ssyncset.done $0x0  }
0xaa: {  	s25 =	simm.s32 $0x1B8E;
	s24 =	sld [smem:$0x3FFE];
	[sflag:s23] =	ssyncadd.s32 $0xFFFFFFFF  }
0xab: {  	s26 =	simm.s32 $execute0_lowered;
	[smem:$0x3FD2] =	sst s25  }
0xac: {  	s5 =	sshll.u32 s26, $0x1;
	_ =	strace $0x80000046;
	[dreg:$0x1] =	wrdreg $0xFFFFFFFF  }
0xad: {  	s28 =	simm.s32 $_size_execute0_lowered;
	s3 =	sadd.s32 s3, s5;
	[dreg:$0x0] =	wrdreg $0x0  }
0xae: {  	s5 =	sshll.u32 s28, $0x1;
	[dreg:$0x2] =	wrdreg s3  }
0xaf: {  	[dreg:$0x3] =	wrdreg s5  }
0xb0: {  	[dreg:$0x4] =	wrdreg $0xC0  }
0xb1: {  	_ =	task [dreg:s7], $0x5FFFF  }
0xb2: {  	[dreg:$0x1] =	wrdreg $0xFFFFFFFF  }
0xb3: {  	[dreg:$0x0] =	wrdreg $0x60  }
0xb4: {  	[dreg:$0x2] =	wrdreg s16  }
0xb5: {  	[dreg:$0x3] =	wrdreg s24  }
0xb6: {  	[dreg:$0x4] =	wrdreg $0x9  }
0xb7: {  	_ =	task.clear_ibuf [dreg:s7], $0x5FFFF;
	_ =	strace $0x90000046  }
0xb8: {  	s29 =	simm.s32 $0x9;
	_ =	strace $0x80000048  }
0xb9: {  	_ =	swait.ge [sflag:s29], $0x1  }
0xba: {  	[sflag:s29] =	ssyncadd.s32 $0xFFFFFFFF  }
0xbb: {  	_ =	strace $0x90000048  }
0xbc: {  	_ =	sfence  }
0xbd: {  	s30 =	sld [smem:$0x0];
	_ =	sdelay $0x2  }
0xbe: {  	s31 =	sshll.u32 s1, $0xD;
	s1 =	sshrl.u32 s1, $0x2  }
0xbf: {  	s3 =	sand.u32 $0x4000, s31;
	s1 =	sadd.s32 s1, s30  }
0xc0: {  	s0 =	sor.u32 s3, s0;
	s1 =	sshll.u32 s1, $0x11  }
0xc1: {  	s0 =	sor.u32 s1, s0  }
0xc2: {  	s0 =	sadd.s32 $0x8F2B, s0  }
0xc3: {  	[sflag:s0] =	ssyncadd.remote.s32 $0x1  }
0xc4: {  	_ =	sfence.sel $0xFFFF  }
0xc5: {  	[dreg:$0x0] =	wrdreg $0xFFFFFFFF;
	(pc) =	sbr.abs _section_cstart, $3  }
0xc6: {  	[dreg:$0x1] =	wrdreg $0xFFFFFFFF  }
0xc7: {  	_ =	task.clear_ibuf [dreg:s7], $0x2FFFF;
	_ =	strace $0x9FFFFFFF  }
0xc8: {  	(tm) =	ssettm $0x7FFFFFFF  }
0xc9: {  	_ =	shalt  }
tec
execute0_lowered:
.L_overlay_start_1:
0x0: {  	(tag) =	ssettag $0x1  }
0x1: {  	s0 =	stileid.u32  }
0x2: {  	s1 =	srdreg.scid;
	s2 =	sshll.u32 s0, $0x1  }
0x3: {  	s8 =	rddreg [dreg:$0x1];
	s10 =	sand.u32 $0x1, s1;
	s24 =	sand.u32 $0x2, s2  }
0x4: {  	s3 =	simm.s32 $0x0;
	s6 =	sshrl.u32 s0, $0x1;
	s7 =	sor.u32 s10, s24  }
0x5: {  	s1 =	rddreg [dreg:$0x2];
	s11 =	sshll.u32 s6, $0xA;
	s9 =	sshll.u32 s7, $0x8  }
0x6: {  	[smem:$0x7FF] =	sst s3;
	s4 =	sor.u32 s11, s9  }
0x7: {  	s12 =	sadd.s32 $0x800, s8;
	s2 =	rddreg [dreg:$0x0];
	s4 =	sshrl.u32 s4, $0x3  }
0x8: {  	_ =	strace $0x80000047;
	s5 =	sadd.s32 s12, s4;
	s4 =	simm.s32 $0x2  }
0x9: {  	[tilespmem:s3], [sflag:$0x2] =	stream.linear.gather [hbm4b:s5+s3], $0x80, $0x38;
	[tilespmem:$0x1080] =	vst v63  }
0xa: {  	_ =	swait.ge [sflag:s4], $0x80  }
0xb: {  	s13 =	sshll.u32 s6, $0xF;
	s6 =	simm.s32 $0x80;
	[sflag:s4] =	ssyncset.done $0x0  }
0xc: {  	s14 =	sshll.u32 s7, $0xD;
	s7 =	simm.s32 $0x1;
	[sflag:s4] =	ssyncadd.s32 $0xFFFFFF80  }
0xd: {  	[tilespmem:s6], [sflag:$0x1] =	stream.indirect.gather [hbm4b:s2+s6], $0x20, s3, s6, $0xb8;
	[tilespmem:$0x1080] =	vst v63  }
0xe: {  	s14 =	sor.u32 s13, s14;
	_ =	swait.ge [sflag:s7], $0x1000  }
0xf: {  	s15 =	sadd.s32 $0xC00, s8;
	s25 =	sshrl.u32 s14, $0x3;
	[sflag:s7] =	ssyncset.done $0x0  }
0x10: {  	s26 =	sor.u32 $0x80, s9;
	s8 =	sadd.s32 s15, s25;
	[sflag:s7] =	ssyncadd.s32 $0xFFFFF000  }
0x11: {  	[hbm4b:s8+s3] =	stream.linear.scatter [tilespmem:s6], [sflag:$0x2], $0x1000, $0x38;
	[tilespmem:$0x1080] =	vst v63  }
0x12: {  	s9 =	sor.u32 s11, s26;
	_ =	swait.ge [sflag:s4], $0x1000  }
0x13: {  	s9 =	sshrl.u32 s9, $0x3;
	[sflag:s4] =	ssyncset.done $0x0  }
0x14: {  	s10 =	ssub.s32 $0x2, s10;
	s9 =	sadd.s32 s12, s9;
	[sflag:s4] =	ssyncadd.s32 $0xFFFFF000  }
0x15: {  	[tilespmem:s3], [sflag:$0x2] =	stream.linear.gather [hbm4b:s9+s3], $0x80, $0x38;
	[tilespmem:$0x1080] =	vst v63  }
0x16: {  	s29 =	sshrl.u32 s10, $0x1;
	_ =	swait.ge [sflag:s4], $0x80  }
0x17: {  	s12 =	ssub.s32 s10, s29;
	[sflag:s4] =	ssyncset.done $0x0  }
0x18: {  	s28 =	sshll.u32 s26, $0x5;
	s31 =	smax.u32 s12, $0x1;
	[sflag:s4] =	ssyncadd.s32 $0xFFFFFF80  }
0x19: {  	[tilespmem:s6], [sflag:$0x1] =	stream.indirect.gather [hbm4b:s2+s6], $0x20, s3, s6, $0xb8;
	[tilespmem:$0x1080] =	vst v63  }
0x1a: {  	s11 =	sor.u32 s13, s28;
	p0 =	sne.s32 s31, $0x1;
	_ =	swait.ge [sflag:s7], $0x1000  }
.Ltmp0:
0x1b: {  	s30 =	sshrl.u32 s11, $0x3;
	[sflag:s7] =	ssyncset.done $0x0;
	(pc) =	sbr.rel @!p0 .LBB2_2-.Ltmp0, $4  }
0x1c: {  	s10 =	sadd.s32 s15, s30;
	[sflag:s7] =	ssyncadd.s32 $0xFFFFF000  }
0x1d: {  	[hbm4b:s10+s3] =	stream.linear.scatter [tilespmem:s6], [sflag:$0x2], $0x1000, $0x38;
	[tilespmem:$0x1080] =	vst v63  }
0x1e: {  	_ =	swait.ge [sflag:s4], $0x1000  }
0x1f: {  	s11 =	sadd.s32 $0xFFFFFFFF, s31;
	[sflag:s4] =	ssyncset.done $0x0  }
.LBB2_1:
0x20: {  	p0 =	sne.s32 s11, $0x1;
	s11 =	sadd.s32 $0xFFFFFFFF, s11;
	[sflag:s4] =	ssyncadd.s32 $0xFFFFF000  }
0x21: {  	[tilespmem:s3], [sflag:$0x2] =	stream.linear.gather [hbm4b:s5+s3], $0x80, $0x38;
	[tilespmem:$0x1080] =	vst v63  }
0x22: {  	_ =	swait.ge [sflag:s4], $0x80  }
0x23: {  	[sflag:s4] =	ssyncset.done $0x0  }
0x24: {  	[sflag:s4] =	ssyncadd.s32 $0xFFFFFF80  }
0x25: {  	[tilespmem:s6], [sflag:$0x1] =	stream.indirect.gather [hbm4b:s2+s6], $0x20, s3, s6, $0xb8;
	[tilespmem:$0x1080] =	vst v63  }
0x26: {  	_ =	swait.ge [sflag:s7], $0x1000  }
0x27: {  	[sflag:s7] =	ssyncset.done $0x0  }
0x28: {  	[sflag:s7] =	ssyncadd.s32 $0xFFFFF000  }
0x29: {  	[hbm4b:s8+s3] =	stream.linear.scatter [tilespmem:s6], [sflag:$0x2], $0x1000, $0x38;
	[tilespmem:$0x1080] =	vst v63  }
0x2a: {  	_ =	swait.ge [sflag:s4], $0x1000  }
0x2b: {  	[sflag:s4] =	ssyncset.done $0x0  }
0x2c: {  	[sflag:s4] =	ssyncadd.s32 $0xFFFFF000  }
0x2d: {  	[tilespmem:s3], [sflag:$0x2] =	stream.linear.gather [hbm4b:s9+s3], $0x80, $0x38;
	[tilespmem:$0x1080] =	vst v63  }
0x2e: {  	_ =	swait.ge [sflag:s4], $0x80  }
0x2f: {  	[sflag:s4] =	ssyncset.done $0x0  }
0x30: {  	[sflag:s4] =	ssyncadd.s32 $0xFFFFFF80  }
0x31: {  	[tilespmem:s6], [sflag:$0x1] =	stream.indirect.gather [hbm4b:s2+s6], $0x20, s3, s6, $0xb8;
	[tilespmem:$0x1080] =	vst v63  }
0x32: {  	_ =	swait.ge [sflag:s7], $0x1000  }
.Ltmp1:
0x33: {  	[sflag:s7] =	ssyncset.done $0x0;
	(pc) =	sbr.rel @p0 .LBB2_1-.Ltmp1, $4  }
0x34: {  	[sflag:s7] =	ssyncadd.s32 $0xFFFFF000  }
0x35: {  	[hbm4b:s10+s3] =	stream.linear.scatter [tilespmem:s6], [sflag:$0x2], $0x1000, $0x38;
	[tilespmem:$0x1080] =	vst v63  }
0x36: {  	_ =	swait.ge [sflag:s4], $0x1000  }
0x37: {  	[sflag:s4] =	ssyncset.done $0x0  }
.LBB2_2:
0x38: {  	[sflag:s4] =	ssyncadd.s32 $0xFFFFF000  }
0x39: {  	_ =	sfence.sel $0x180000  }
0x3a: {  	[bflag:$0x0] =	sbarrier.arrive $0xFFFF  }
0x3b: {  	p0 =	sne.s32 s0, $0x0;
	_ =	strace $0x90000047  }
0x3c: {  	s0 =	sadd.s32 @!p0 $0x100000, s1;
	[bflag:$0x2] =	sbarrier.arrive $0xFFFF  }
0x3d: {  	[sflag:s0] =	ssyncadd.tile.s32 @!p0 $0x1;
	_ =	shalt  }
.Lfunc_end2:
_tile_overlayer_lowered:
.L_overlay_start_2:
0x3e: {  	(tag) =	ssettag $0x2  }
0x3f: {  	s0 =	rddreg [dreg:$0x0];
	s2 =	stileid.u32  }
0x40: {  	s1 =	rddreg [dreg:$0x1];
	p0 =	sne.s32 s2, $0x0  }
0x41: {  	s3 =	rddreg [dreg:$0x2];
	[bflag:$0x3] =	sbarrier.arrive $0xFFFF;
	s2 =	simm.s32 @!p0 $0x1C02  }
0x42: {  	[timem:s3], [sflag:s2] =	dma.local @!p0 [hbm:s0], s1  }
0x43: {  	s0 =	simm.s32 @!p0 $0x2  }
0x44: {  	_ =	swait.ge @!p0 [sflag:s0], s1  }
0x45: {  	s1 =	ssub.s32 @!p0 $0x0, s1;
	[sflag:s0] =	ssyncset.done @!p0 $0x0  }
0x46: {  	[sflag:s0] =	ssyncadd.s32 @!p0 s1  }
0x47: {  	[bflag:$0x3] =	sbarrier.arrive $0xFFFF  }
0x48: {  	_ =	shalt  }

</sc_bundles>
